<compile_context>
chip_gen: v7x
topology: tpu7x:2x2x1
jax: 0.10.2.dev20260603
libtpu: 0.0.44.dev20260713+nightly
codegen_flags: <defaults>
</compile_context>

<pallas_src>
import functools

import jax
import jax.numpy as jnp
from jax import lax
from jax.experimental import pallas as pl
from jax.experimental.pallas import tpu as pltpu
from jax.experimental.pallas import tpu_sc as plsc

N_V = 100000
N_E = 6400000
NC = 2
NS = 16
NW = NC * NS
L = 16

N_VP = 100352
CHUNK = 3200
N_CHUNKS = N_E // CHUNK
MAIN_J = 62
TAIL_START = MAIN_J * NW
INNER = CHUNK // L
U = 20


def _fire(eij, eattr_t, off, ij_r, val_r, sij, sval):
    pltpu.async_copy(eij.at[:, pl.ds(off, CHUNK)], ij_r, sij)
    pltpu.async_copy(eattr_t.at[:, pl.ds(off, CHUNK)], val_r, sval)


def _drain(eij, eattr_t, off, ij_r, val_r, sij, sval):
    pltpu.make_async_copy(eij.at[:, pl.ds(off, CHUNK)], ij_r, sij).wait()
    pltpu.make_async_copy(eattr_t.at[:, pl.ds(off, CHUNK)], val_r, sval).wait()


def _process(ij_r, val_r, acc_ref):
    @plsc.parallel_loop(0, INNER, 1, unroll=U)
    def _(i):
        d = pl.ds(i * L, L)
        plsc.addupdate_scatter(acc_ref, [ij_r[0, d]], val_r[1, d])


@functools.partial(
    pl.kernel,
    mesh=plsc.VectorSubcoreMesh(core_axis_name="c", subcore_axis_name="s"),
    out_type=jax.ShapeDtypeStruct((NW * N_VP,), jnp.float32),
    scratch_types=[
        pltpu.VMEM((2, CHUNK), jnp.int32),
        pltpu.VMEM((2, CHUNK), jnp.float32),
        pltpu.VMEM((2, CHUNK), jnp.int32),
        pltpu.VMEM((2, CHUNK), jnp.float32),
        pltpu.VMEM((N_VP,), jnp.float32),
        pltpu.SemaphoreType.DMA,
        pltpu.SemaphoreType.DMA,
        pltpu.SemaphoreType.DMA,
        pltpu.SemaphoreType.DMA,
    ],
    compiler_params=pltpu.CompilerParams(needs_layout_passes=False),
)
def _sc_scatter(eij, eattr_t, out, ij0, val0, ij1, val1, acc_ref,
                sij0, sval0, sij1, sval1):
    c = lax.axis_index("c")
    s = lax.axis_index("s")
    wid = s * NC + c

    def coff(j):
        return (wid + j * NW) * CHUNK

    _fire(eij, eattr_t, coff(0), ij0, val0, sij0, sval0)
    _fire(eij, eattr_t, coff(1), ij1, val1, sij1, sval1)

    zeros = jnp.zeros((L,), jnp.float32)

    @plsc.parallel_loop(0, N_VP // L, 1, unroll=16)
    def _(i):
        acc_ref[pl.ds(i * L, L)] = zeros

    last = MAIN_J - 1

    def pair(t, _):
        j0 = 2 * t
        _drain(eij, eattr_t, coff(j0), ij0, val0, sij0, sval0)
        _process(ij0, val0, acc_ref)
        _fire(eij, eattr_t, coff(jnp.minimum(j0 + 2, last)), ij0, val0,
              sij0, sval0)
        _drain(eij, eattr_t, coff(j0 + 1), ij1, val1, sij1, sval1)
        _process(ij1, val1, acc_ref)
        _fire(eij, eattr_t, coff(jnp.minimum(j0 + 3, last)), ij1, val1,
              sij1, sval1)
        return 0

    lax.fori_loop(0, MAIN_J // 2, pair, 0)

    _drain(eij, eattr_t, coff(last), ij0, val0, sij0, sval0)
    _drain(eij, eattr_t, coff(last), ij1, val1, sij1, sval1)

    @pl.when(wid < N_CHUNKS - TAIL_START)
    def _():
        off = (TAIL_START + wid) * CHUNK
        pltpu.sync_copy(eij.at[:, pl.ds(off, CHUNK)], ij0)
        pltpu.sync_copy(eattr_t.at[:, pl.ds(off, CHUNK)], val0)
        _process(ij0, val0, acc_ref)

    pltpu.sync_copy(acc_ref, out.at[pl.ds(wid * N_VP, N_VP)])


FIN_G = 16


def _fin_body(va_ref, pp_ref, out_ref):
    k = pl.program_id(0)
    p = pp_ref[pl.ds(0, N_VP)]
    for q in range(1, FIN_G):
        p = p + pp_ref[pl.ds(q * N_VP, N_VP)]

    @pl.when(k == 0)
    def _():
        b = va_ref[0, :]
        out_ref[0, :] = b
        out_ref[1, :] = va_ref[1, :]
        out_ref[2, :] = b - p

    @pl.when(k != 0)
    def _():
        out_ref[2, :] = out_ref[2, :] - p


def _finalize(va_t, pp):
    return pl.pallas_call(
        _fin_body,
        grid=(NW // FIN_G,),
        in_specs=[
            pl.BlockSpec((2, N_VP), lambda k: (0, 0)),
            pl.BlockSpec((FIN_G * N_VP,), lambda k: (k,)),
        ],
        out_specs=pl.BlockSpec((3, N_VP), lambda k: (0, 0)),
        out_shape=jax.ShapeDtypeStruct((3, N_V), jnp.float32),
    )(va_t, pp)


@jax.jit
def kernel(vertex_attr, edgeij_pair, edge_attr, g, batch):
    pp = _sc_scatter(edgeij_pair, edge_attr.T)
    out_t = _finalize(vertex_attr.T, pp)
    return out_t.T

# --- scband reference (transcript-rebuilt; emitter-appended) ---
"""Pipeline reference for scband-vertex-update-91096256348934 (READ-ONLY COPY).

The authoritative reference and input builder live on the scoring server;
editing this copy changes nothing except your own understanding.
"""

import jax, jax.numpy as jnp
import numpy as np

N_VERTICES = 100000
N_EDGES = 6400000


def edge_aggregation_function(edgeij_pair, c_ij, n_vertices):
    # scatter-add edge values c_ij onto destination vertex i (row 0 of edgeij_pair)
    return jax.ops.segment_sum(c_ij, edgeij_pair[0], num_segments=n_vertices)


def setup_inputs(seed: int = 0) -> dict:
    key = jax.random.key(seed)
    k1, k2, k3 = jax.random.split(key, 3)
    vertex_attr = jax.random.normal(k1, (N_VERTICES, 2), dtype=jnp.float32)
    edgeij_pair = jax.random.randint(k2, (2, N_EDGES), 0, N_VERTICES, dtype=jnp.int32)
    edge_attr = jax.random.normal(k3, (N_EDGES, 2), dtype=jnp.float32)
    g = 0
    batch = jnp.zeros((N_VERTICES,), dtype=jnp.int32)
    return {"vertex_attr": vertex_attr, "edgeij_pair": edgeij_pair, "edge_attr": edge_attr, "g": g, "batch": batch}


def reference(vertex_attr, edgeij_pair, edge_attr, g, batch):
    c_ij = edge_attr[:, 1].reshape(-1, 1)
    b_i = vertex_attr[:, 0].reshape(-1, 1)
    x_i = vertex_attr[:, 1].reshape(-1, 1)
    n_vertices = x_i.shape[0]
    cbar_i = edge_aggregation_function(edgeij_pair, c_ij, n_vertices)
    r_i = b_i - cbar_i
    return jnp.concatenate([b_i, x_i, r_i], axis=1)

if __name__ == "__main__":
    import jax
    _d = setup_inputs()
    print(jax.jit(kernel)(*tuple(_d.values())))

</pallas_src>

<mosaic_0001>
#map = affine_map<(d0, d1) -> (0, 0)>
#map1 = affine_map<(d0, d1) -> (0)>
module attributes {stable_mosaic.version = 14 : i64} {
  func.func @_sc_scatter(%arg0: i32, %arg1: i32, %arg2: memref<2x6400000xi32, #tpu.memory_space<hbm>>, %arg3: memref<2x6400000xf32, #tpu.memory_space<hbm>>, %arg4: memref<3211264xf32, #tpu.memory_space<hbm>>, %arg5: memref<2x3200xi32, #tpu.memory_space<vmem>>, %arg6: memref<2x3200xf32, #tpu.memory_space<vmem>>, %arg7: memref<2x3200xi32, #tpu.memory_space<vmem>>, %arg8: memref<2x3200xf32, #tpu.memory_space<vmem>>, %arg9: memref<100352xf32, #tpu.memory_space<vmem>>, %arg10: memref<!tpu.dma_semaphore, #tpu.memory_space<semaphore_mem>>, %arg11: memref<!tpu.dma_semaphore, #tpu.memory_space<semaphore_mem>>, %arg12: memref<!tpu.dma_semaphore, #tpu.memory_space<semaphore_mem>>, %arg13: memref<!tpu.dma_semaphore, #tpu.memory_space<semaphore_mem>>) attributes {dimension_semantics = [#tpu.dimension_semantics<core_parallel>, #tpu.dimension_semantics<subcore_parallel>], iteration_bounds = array<i64: 2, 16>, scalar_prefetch = 0 : i64, scratch_operands = 9 : i64, tpu.core_type = #tpu.core_type<sc_vector_subcore>, window_params = [{transform_indices = #map}, {transform_indices = #map}, {transform_indices = #map1}]} {
    %mul3A = arith.constant 2 : i32
    %mul3A_0 = arith.muli %arg1, %mul3A : i32
    %add3A = arith.addi %mul3A_0, %arg0 : i32
    %add3A_1 = arith.constant 0 : i32
    %add3A_2 = arith.addi %add3A, %add3A_1 : i32
    %mul3A_3 = arith.constant 3200 : i32
    %mul3A_4 = arith.muli %add3A_2, %mul3A_3 : i32
    %dma_start3A = arith.constant 0 : i32
    %dma_start3A_5 = tpu.memref_slice %arg2[%dma_start3A, %mul3A_4] : memref<2x6400000xi32, #tpu.memory_space<hbm>> -> memref<2x3200xi32, #tpu.memory_space<hbm>>
    %dma_start3A_6 = arith.constant 0 : i32
    %dma_start3A_7 = tpu.memref_slice %arg2[%dma_start3A_6, %mul3A_4] : memref<2x6400000xi32, #tpu.memory_space<hbm>> -> memref<2x3200xi32, #tpu.memory_space<hbm>>
    tpu.enqueue_dma source(%dma_start3A_7 : memref<2x3200xi32, #tpu.memory_space<hbm>>) target(%arg5 : memref<2x3200xi32, #tpu.memory_space<vmem>>) target_semaphore(%arg10 : memref<!tpu.dma_semaphore, #tpu.memory_space<semaphore_mem>>)
    %dma_start3A_8 = arith.constant 0 : i32
    %dma_start3A_9 = tpu.memref_slice %arg3[%dma_start3A_8, %mul3A_4] : memref<2x6400000xf32, #tpu.memory_space<hbm>> -> memref<2x3200xf32, #tpu.memory_space<hbm>>
    %dma_start3A_10 = arith.constant 0 : i32
    %dma_start3A_11 = tpu.memref_slice %arg3[%dma_start3A_10, %mul3A_4] : memref<2x6400000xf32, #tpu.memory_space<hbm>> -> memref<2x3200xf32, #tpu.memory_space<hbm>>
    tpu.enqueue_dma source(%dma_start3A_11 : memref<2x3200xf32, #tpu.memory_space<hbm>>) target(%arg6 : memref<2x3200xf32, #tpu.memory_space<vmem>>) target_semaphore(%arg11 : memref<!tpu.dma_semaphore, #tpu.memory_space<semaphore_mem>>)
    %add3A_12 = arith.constant 32 : i32
    %add3A_13 = arith.addi %add3A, %add3A_12 : i32
    %mul3A_14 = arith.constant 3200 : i32
    %mul3A_15 = arith.muli %add3A_13, %mul3A_14 : i32
    %dma_start3A_16 = arith.constant 0 : i32
    %dma_start3A_17 = tpu.memref_slice %arg2[%dma_start3A_16, %mul3A_15] : memref<2x6400000xi32, #tpu.memory_space<hbm>> -> memref<2x3200xi32, #tpu.memory_space<hbm>>
    %dma_start3A_18 = arith.constant 0 : i32
    %dma_start3A_19 = tpu.memref_slice %arg2[%dma_start3A_18, %mul3A_15] : memref<2x6400000xi32, #tpu.memory_space<hbm>> -> memref<2x3200xi32, #tpu.memory_space<hbm>>
    tpu.enqueue_dma source(%dma_start3A_19 : memref<2x3200xi32, #tpu.memory_space<hbm>>) target(%arg7 : memref<2x3200xi32, #tpu.memory_space<vmem>>) target_semaphore(%arg12 : memref<!tpu.dma_semaphore, #tpu.memory_space<semaphore_mem>>)
    %dma_start3A_20 = arith.constant 0 : i32
    %dma_start3A_21 = tpu.memref_slice %arg3[%dma_start3A_20, %mul3A_15] : memref<2x6400000xf32, #tpu.memory_space<hbm>> -> memref<2x3200xf32, #tpu.memory_space<hbm>>
    %dma_start3A_22 = arith.constant 0 : i32
    %dma_start3A_23 = tpu.memref_slice %arg3[%dma_start3A_22, %mul3A_15] : memref<2x6400000xf32, #tpu.memory_space<hbm>> -> memref<2x3200xf32, #tpu.memory_space<hbm>>
    tpu.enqueue_dma source(%dma_start3A_23 : memref<2x3200xf32, #tpu.memory_space<hbm>>) target(%arg8 : memref<2x3200xf32, #tpu.memory_space<vmem>>) target_semaphore(%arg13 : memref<!tpu.dma_semaphore, #tpu.memory_space<semaphore_mem>>)
    %broadcast_in_dim3A = arith.constant 0.000000e+00 : f32
    %broadcast_in_dim3A_24 = vector.broadcast %broadcast_in_dim3A : f32 to vector<16xf32>
    %parallel_loop3A = arith.constant 0 : i32
    %parallel_loop3A_25 = arith.constant 6272 : i32
    %parallel_loop3A_26 = arith.constant 1 : i32
    scf.for %parallel_loop3A_60 = %parallel_loop3A to %parallel_loop3A_25 step %parallel_loop3A_26  : i32 {
      %parallel_loop3A_61 = arith.constant 16 : i32
      %parallel_loop3A_62 = arith.muli %parallel_loop3A_60, %parallel_loop3A_61 : i32
      %parallel_loop3A_63 = arith.index_cast %parallel_loop3A_62 : i32 to index
      %parallel_loop3A_64 = tpu.vector_load %arg9[%parallel_loop3A_63] {strides = array<i32>} : memref<100352xf32, #tpu.memory_space<vmem>>, vector<16xf32>,
      tpu.vector_store %arg9[%parallel_loop3A_63], %broadcast_in_dim3A_24 {strides = array<i32>} : memref<100352xf32, #tpu.memory_space<vmem>>, vector<16xf32>,
    } {sc.loop_unroll_factor = 16 : i64, sc.parallel_access}
    %scan3A = arith.constant 0 : i32
    %scan3A_27 = arith.constant 0 : i32
    %scan3A_28 = arith.constant 31 : i32
    %scan3A_29 = arith.addi %scan3A_27, %scan3A_28 : i32
    %scan3A_30 = arith.constant 1 : i32
    %scan3A_31 = scf.for %scan3A_60 = %scan3A_27 to %scan3A_29 step %scan3A_30 iter_args(%scan3A_61 = %scan3A) -> (i32)  : i32 {
      %mul3A_62 = arith.constant 2 : i32
      %mul3A_63 = arith.muli %mul3A_62, %scan3A_60 : i32
      %mul3A_64 = arith.constant 32 : i32
      %mul3A_65 = arith.muli %mul3A_63, %mul3A_64 : i32
      %add3A_66 = arith.addi %add3A, %mul3A_65 : i32
      %mul3A_67 = arith.constant 3200 : i32
      %mul3A_68 = arith.muli %add3A_66, %mul3A_67 : i32
      %dma_wait3A_69 = arith.constant 0 : i32
      %dma_wait3A_70 = tpu.memref_slice %arg2[%dma_wait3A_69, %mul3A_68] : memref<2x6400000xi32, #tpu.memory_space<hbm>> -> memref<2x3200xi32, #tpu.memory_space<hbm>>
      %dma_wait3A_71 = arith.constant 0 : i32
      %dma_wait3A_72 = tpu.memref_slice %arg2[%dma_wait3A_71, %mul3A_68] : memref<2x6400000xi32, #tpu.memory_space<hbm>> -> memref<2x3200xi32, #tpu.memory_space<hbm>>
      tpu.wait_dma2 semaphore(%arg10 : memref<!tpu.dma_semaphore, #tpu.memory_space<semaphore_mem>>) src(%dma_wait3A_72 : memref<2x3200xi32, #tpu.memory_space<hbm>>) dst(%arg5 : memref<2x3200xi32, #tpu.memory_space<vmem>>)
      %dma_wait3A_73 = arith.constant 0 : i32
      %dma_wait3A_74 = tpu.memref_slice %arg3[%dma_wait3A_73, %mul3A_68] : memref<2x6400000xf32, #tpu.memory_space<hbm>> -> memref<2x3200xf32, #tpu.memory_space<hbm>>
      %dma_wait3A_75 = arith.constant 0 : i32
      %dma_wait3A_76 = tpu.memref_slice %arg3[%dma_wait3A_75, %mul3A_68] : memref<2x6400000xf32, #tpu.memory_space<hbm>> -> memref<2x3200xf32, #tpu.memory_space<hbm>>
      tpu.wait_dma2 semaphore(%arg11 : memref<!tpu.dma_semaphore, #tpu.memory_space<semaphore_mem>>) src(%dma_wait3A_76 : memref<2x3200xf32, #tpu.memory_space<hbm>>) dst(%arg6 : memref<2x3200xf32, #tpu.memory_space<vmem>>)
      %parallel_loop3A_77 = arith.constant 0 : i32
      %parallel_loop3A_78 = arith.constant 200 : i32
      %parallel_loop3A_79 = arith.constant 1 : i32
      scf.for %parallel_loop3A_132 = %parallel_loop3A_77 to %parallel_loop3A_78 step %parallel_loop3A_79  : i32 {
        %parallel_loop3A_133 = arith.constant 16 : i32
        %parallel_loop3A_134 = arith.muli %parallel_loop3A_132, %parallel_loop3A_133 : i32
        %parallel_loop3A_135 = arith.constant 0 : i32
        %parallel_loop3A_136 = arith.index_cast %parallel_loop3A_135 : i32 to index
        %parallel_loop3A_137 = arith.index_cast %parallel_loop3A_134 : i32 to index
        %parallel_loop3A_138 = tpu.vector_load %arg5[%parallel_loop3A_136, %parallel_loop3A_137] {strides = array<i32>} : memref<2x3200xi32, #tpu.memory_space<vmem>>, vector<16xi32>,
        %parallel_loop3A_139 = arith.constant 1 : i32
        %parallel_loop3A_140 = arith.index_cast %parallel_loop3A_139 : i32 to index
        %parallel_loop3A_141 = arith.index_cast %parallel_loop3A_134 : i32 to index
        %parallel_loop3A_142 = tpu.vector_load %arg6[%parallel_loop3A_140, %parallel_loop3A_141] {strides = array<i32>} : memref<2x3200xf32, #tpu.memory_space<vmem>>, vector<16xf32>,
        tpu.vector_store_idx %arg9[%parallel_loop3A_138], %parallel_loop3A_142 {add = true} : memref<100352xf32, #tpu.memory_space<vmem>>[vector<16xi32>], vector<16xf32>,
      } {sc.loop_unroll_factor = 20 : i64, sc.parallel_access}
      %add3A_80 = arith.constant 2 : i32
      %add3A_81 = arith.addi %mul3A_63, %add3A_80 : i32
      %min3A = arith.constant 61 : i32
      %min3A_82 = arith.minsi %add3A_81, %min3A : i32
      %mul3A_83 = arith.constant 32 : i32
      %mul3A_84 = arith.muli %min3A_82, %mul3A_83 : i32
      %add3A_85 = arith.addi %add3A, %mul3A_84 : i32
      %mul3A_86 = arith.constant 3200 : i32
      %mul3A_87 = arith.muli %add3A_85, %mul3A_86 : i32
      %dma_start3A_88 = arith.constant 0 : i32
      %dma_start3A_89 = tpu.memref_slice %arg2[%dma_start3A_88, %mul3A_87] : memref<2x6400000xi32, #tpu.memory_space<hbm>> -> memref<2x3200xi32, #tpu.memory_space<hbm>>
      %dma_start3A_90 = arith.constant 0 : i32
      %dma_start3A_91 = tpu.memref_slice %arg2[%dma_start3A_90, %mul3A_87] : memref<2x6400000xi32, #tpu.memory_space<hbm>> -> memref<2x3200xi32, #tpu.memory_space<hbm>>
      tpu.enqueue_dma source(%dma_start3A_91 : memref<2x3200xi32, #tpu.memory_space<hbm>>) target(%arg5 : memref<2x3200xi32, #tpu.memory_space<vmem>>) target_semaphore(%arg10 : memref<!tpu.dma_semaphore, #tpu.memory_space<semaphore_mem>>)
      %dma_start3A_92 = arith.constant 0 : i32
      %dma_start3A_93 = tpu.memref_slice %arg3[%dma_start3A_92, %mul3A_87] : memref<2x6400000xf32, #tpu.memory_space<hbm>> -> memref<2x3200xf32, #tpu.memory_space<hbm>>
      %dma_start3A_94 = arith.constant 0 : i32
      %dma_start3A_95 = tpu.memref_slice %arg3[%dma_start3A_94, %mul3A_87] : memref<2x6400000xf32, #tpu.memory_space<hbm>> -> memref<2x3200xf32, #tpu.memory_space<hbm>>
      tpu.enqueue_dma source(%dma_start3A_95 : memref<2x3200xf32, #tpu.memory_space<hbm>>) target(%arg6 : memref<2x3200xf32, #tpu.memory_space<vmem>>) target_semaphore(%arg11 : memref<!tpu.dma_semaphore, #tpu.memory_space<semaphore_mem>>)
      %add3A_96 = arith.constant 1 : i32
      %add3A_97 = arith.addi %mul3A_63, %add3A_96 : i32
      %mul3A_98 = arith.constant 32 : i32
      %mul3A_99 = arith.muli %add3A_97, %mul3A_98 : i32
      %add3A_100 = arith.addi %add3A, %mul3A_99 : i32
      %mul3A_101 = arith.constant 3200 : i32
      %mul3A_102 = arith.muli %add3A_100, %mul3A_101 : i32
      %dma_wait3A_103 = arith.constant 0 : i32
      %dma_wait3A_104 = tpu.memref_slice %arg2[%dma_wait3A_103, %mul3A_102] : memref<2x6400000xi32, #tpu.memory_space<hbm>> -> memref<2x3200xi32, #tpu.memory_space<hbm>>
      %dma_wait3A_105 = arith.constant 0 : i32
      %dma_wait3A_106 = tpu.memref_slice %arg2[%dma_wait3A_105, %mul3A_102] : memref<2x6400000xi32, #tpu.memory_space<hbm>> -> memref<2x3200xi32, #tpu.memory_space<hbm>>
      tpu.wait_dma2 semaphore(%arg12 : memref<!tpu.dma_semaphore, #tpu.memory_space<semaphore_mem>>) src(%dma_wait3A_106 : memref<2x3200xi32, #tpu.memory_space<hbm>>) dst(%arg7 : memref<2x3200xi32, #tpu.memory_space<vmem>>)
      %dma_wait3A_107 = arith.constant 0 : i32
      %dma_wait3A_108 = tpu.memref_slice %arg3[%dma_wait3A_107, %mul3A_102] : memref<2x6400000xf32, #tpu.memory_space<hbm>> -> memref<2x3200xf32, #tpu.memory_space<hbm>>
      %dma_wait3A_109 = arith.constant 0 : i32
      %dma_wait3A_110 = tpu.memref_slice %arg3[%dma_wait3A_109, %mul3A_102] : memref<2x6400000xf32, #tpu.memory_space<hbm>> -> memref<2x3200xf32, #tpu.memory_space<hbm>>
      tpu.wait_dma2 semaphore(%arg13 : memref<!tpu.dma_semaphore, #tpu.memory_space<semaphore_mem>>) src(%dma_wait3A_110 : memref<2x3200xf32, #tpu.memory_space<hbm>>) dst(%arg8 : memref<2x3200xf32, #tpu.memory_space<vmem>>)
      %parallel_loop3A_111 = arith.constant 0 : i32
      %parallel_loop3A_112 = arith.constant 200 : i32
      %parallel_loop3A_113 = arith.constant 1 : i32
      scf.for %parallel_loop3A_132 = %parallel_loop3A_111 to %parallel_loop3A_112 step %parallel_loop3A_113  : i32 {
        %parallel_loop3A_133 = arith.constant 16 : i32
        %parallel_loop3A_134 = arith.muli %parallel_loop3A_132, %parallel_loop3A_133 : i32
        %parallel_loop3A_135 = arith.constant 0 : i32
        %parallel_loop3A_136 = arith.index_cast %parallel_loop3A_135 : i32 to index
        %parallel_loop3A_137 = arith.index_cast %parallel_loop3A_134 : i32 to index
        %parallel_loop3A_138 = tpu.vector_load %arg7[%parallel_loop3A_136, %parallel_loop3A_137] {strides = array<i32>} : memref<2x3200xi32, #tpu.memory_space<vmem>>, vector<16xi32>,
        %parallel_loop3A_139 = arith.constant 1 : i32
        %parallel_loop3A_140 = arith.index_cast %parallel_loop3A_139 : i32 to index
        %parallel_loop3A_141 = arith.index_cast %parallel_loop3A_134 : i32 to index
        %parallel_loop3A_142 = tpu.vector_load %arg8[%parallel_loop3A_140, %parallel_loop3A_141] {strides = array<i32>} : memref<2x3200xf32, #tpu.memory_space<vmem>>, vector<16xf32>,
        tpu.vector_store_idx %arg9[%parallel_loop3A_138], %parallel_loop3A_142 {add = true} : memref<100352xf32, #tpu.memory_space<vmem>>[vector<16xi32>], vector<16xf32>,
      } {sc.loop_unroll_factor = 20 : i64, sc.parallel_access}
      %add3A_114 = arith.constant 3 : i32
      %add3A_115 = arith.addi %mul3A_63, %add3A_114 : i32
      %min3A_116 = arith.constant 61 : i32
      %min3A_117 = arith.minsi %add3A_115, %min3A_116 : i32
      %mul3A_118 = arith.constant 32 : i32
      %mul3A_119 = arith.muli %min3A_117, %mul3A_118 : i32
      %add3A_120 = arith.addi %add3A, %mul3A_119 : i32
      %mul3A_121 = arith.constant 3200 : i32
      %mul3A_122 = arith.muli %add3A_120, %mul3A_121 : i32
      %dma_start3A_123 = arith.constant 0 : i32
      %dma_start3A_124 = tpu.memref_slice %arg2[%dma_start3A_123, %mul3A_122] : memref<2x6400000xi32, #tpu.memory_space<hbm>> -> memref<2x3200xi32, #tpu.memory_space<hbm>>
      %dma_start3A_125 = arith.constant 0 : i32
      %dma_start3A_126 = tpu.memref_slice %arg2[%dma_start3A_125, %mul3A_122] : memref<2x6400000xi32, #tpu.memory_space<hbm>> -> memref<2x3200xi32, #tpu.memory_space<hbm>>
      tpu.enqueue_dma source(%dma_start3A_126 : memref<2x3200xi32, #tpu.memory_space<hbm>>) target(%arg7 : memref<2x3200xi32, #tpu.memory_space<vmem>>) target_semaphore(%arg12 : memref<!tpu.dma_semaphore, #tpu.memory_space<semaphore_mem>>)
      %dma_start3A_127 = arith.constant 0 : i32
      %dma_start3A_128 = tpu.memref_slice %arg3[%dma_start3A_127, %mul3A_122] : memref<2x6400000xf32, #tpu.memory_space<hbm>> -> memref<2x3200xf32, #tpu.memory_space<hbm>>
      %dma_start3A_129 = arith.constant 0 : i32
      %dma_start3A_130 = tpu.memref_slice %arg3[%dma_start3A_129, %mul3A_122] : memref<2x6400000xf32, #tpu.memory_space<hbm>> -> memref<2x3200xf32, #tpu.memory_space<hbm>>
      tpu.enqueue_dma source(%dma_start3A_130 : memref<2x3200xf32, #tpu.memory_space<hbm>>) target(%arg8 : memref<2x3200xf32, #tpu.memory_space<vmem>>) target_semaphore(%arg13 : memref<!tpu.dma_semaphore, #tpu.memory_space<semaphore_mem>>)
      %scan3A_131 = arith.constant 0 : i32
      scf.yield %scan3A_131 : i32
    }
    %scan3A_32 = arith.constant 31 : i32
    %add3A_33 = arith.constant 1952 : i32
    %add3A_34 = arith.addi %add3A, %add3A_33 : i32
    %mul3A_35 = arith.constant 3200 : i32
    %mul3A_36 = arith.muli %add3A_34, %mul3A_35 : i32
    %dma_wait3A = arith.constant 0 : i32
    %dma_wait3A_37 = tpu.memref_slice %arg2[%dma_wait3A, %mul3A_36] : memref<2x6400000xi32, #tpu.memory_space<hbm>> -> memref<2x3200xi32, #tpu.memory_space<hbm>>
    %dma_wait3A_38 = arith.constant 0 : i32
    %dma_wait3A_39 = tpu.memref_slice %arg2[%dma_wait3A_38, %mul3A_36] : memref<2x6400000xi32, #tpu.memory_space<hbm>> -> memref<2x3200xi32, #tpu.memory_space<hbm>>
    tpu.wait_dma2 semaphore(%arg10 : memref<!tpu.dma_semaphore, #tpu.memory_space<semaphore_mem>>) src(%dma_wait3A_39 : memref<2x3200xi32, #tpu.memory_space<hbm>>) dst(%arg5 : memref<2x3200xi32, #tpu.memory_space<vmem>>)
    %dma_wait3A_40 = arith.constant 0 : i32
    %dma_wait3A_41 = tpu.memref_slice %arg3[%dma_wait3A_40, %mul3A_36] : memref<2x6400000xf32, #tpu.memory_space<hbm>> -> memref<2x3200xf32, #tpu.memory_space<hbm>>
    %dma_wait3A_42 = arith.constant 0 : i32
    %dma_wait3A_43 = tpu.memref_slice %arg3[%dma_wait3A_42, %mul3A_36] : memref<2x6400000xf32, #tpu.memory_space<hbm>> -> memref<2x3200xf32, #tpu.memory_space<hbm>>
    tpu.wait_dma2 semaphore(%arg11 : memref<!tpu.dma_semaphore, #tpu.memory_space<semaphore_mem>>) src(%dma_wait3A_43 : memref<2x3200xf32, #tpu.memory_space<hbm>>) dst(%arg6 : memref<2x3200xf32, #tpu.memory_space<vmem>>)
    %add3A_44 = arith.constant 1952 : i32
    %add3A_45 = arith.addi %add3A, %add3A_44 : i32
    %mul3A_46 = arith.constant 3200 : i32
    %mul3A_47 = arith.muli %add3A_45, %mul3A_46 : i32
    %dma_wait3A_48 = arith.constant 0 : i32
    %dma_wait3A_49 = tpu.memref_slice %arg2[%dma_wait3A_48, %mul3A_47] : memref<2x6400000xi32, #tpu.memory_space<hbm>> -> memref<2x3200xi32, #tpu.memory_space<hbm>>
    %dma_wait3A_50 = arith.constant 0 : i32
    %dma_wait3A_51 = tpu.memref_slice %arg2[%dma_wait3A_50, %mul3A_47] : memref<2x6400000xi32, #tpu.memory_space<hbm>> -> memref<2x3200xi32, #tpu.memory_space<hbm>>
    tpu.wait_dma2 semaphore(%arg12 : memref<!tpu.dma_semaphore, #tpu.memory_space<semaphore_mem>>) src(%dma_wait3A_51 : memref<2x3200xi32, #tpu.memory_space<hbm>>) dst(%arg7 : memref<2x3200xi32, #tpu.memory_space<vmem>>)
    %dma_wait3A_52 = arith.constant 0 : i32
    %dma_wait3A_53 = tpu.memref_slice %arg3[%dma_wait3A_52, %mul3A_47] : memref<2x6400000xf32, #tpu.memory_space<hbm>> -> memref<2x3200xf32, #tpu.memory_space<hbm>>
    %dma_wait3A_54 = arith.constant 0 : i32
    %dma_wait3A_55 = tpu.memref_slice %arg3[%dma_wait3A_54, %mul3A_47] : memref<2x6400000xf32, #tpu.memory_space<hbm>> -> memref<2x3200xf32, #tpu.memory_space<hbm>>
    tpu.wait_dma2 semaphore(%arg13 : memref<!tpu.dma_semaphore, #tpu.memory_space<semaphore_mem>>) src(%dma_wait3A_55 : memref<2x3200xf32, #tpu.memory_space<hbm>>) dst(%arg8 : memref<2x3200xf32, #tpu.memory_space<vmem>>)
    %lt3A = arith.constant 16 : i32
    %lt3A_56 = arith.cmpi slt, %add3A, %lt3A : i32
    %convert_element_type3A = arith.extui %lt3A_56 : i1 to i32
    %cond3A = arith.constant 0 : i32
    %cond3A_57 = arith.cmpi ne, %convert_element_type3A, %cond3A : i32
    scf.if %cond3A_57 {
      %add3A_60 = arith.constant 1984 : i32
      %add3A_61 = arith.addi %add3A_60, %add3A : i32
      %mul3A_62 = arith.constant 3200 : i32
      %mul3A_63 = arith.muli %add3A_61, %mul3A_62 : i32
      "tpu.region"() ({
        %run_scoped3A = tpu.sem_alloc : memref<!tpu.dma_semaphore, #tpu.memory_space<semaphore_mem>>
        %dma_start3A_67 = arith.constant 0 : i32
        %dma_start3A_68 = tpu.memref_slice %arg2[%dma_start3A_67, %mul3A_63] : memref<2x6400000xi32, #tpu.memory_space<hbm>> -> memref<2x3200xi32, #tpu.memory_space<hbm>>
        %dma_start3A_69 = arith.constant 0 : i32
        %dma_start3A_70 = tpu.memref_slice %arg2[%dma_start3A_69, %mul3A_63] : memref<2x6400000xi32, #tpu.memory_space<hbm>> -> memref<2x3200xi32, #tpu.memory_space<hbm>>
        tpu.enqueue_dma source(%dma_start3A_70 : memref<2x3200xi32, #tpu.memory_space<hbm>>) target(%arg5 : memref<2x3200xi32, #tpu.memory_space<vmem>>) target_semaphore(%run_scoped3A : memref<!tpu.dma_semaphore, #tpu.memory_space<semaphore_mem>>)
        %dma_wait3A_71 = arith.constant 0 : i32
        %dma_wait3A_72 = tpu.memref_slice %arg2[%dma_wait3A_71, %mul3A_63] : memref<2x6400000xi32, #tpu.memory_space<hbm>> -> memref<2x3200xi32, #tpu.memory_space<hbm>>
        %dma_wait3A_73 = arith.constant 0 : i32
        %dma_wait3A_74 = tpu.memref_slice %arg2[%dma_wait3A_73, %mul3A_63] : memref<2x6400000xi32, #tpu.memory_space<hbm>> -> memref<2x3200xi32, #tpu.memory_space<hbm>>
        tpu.wait_dma2 semaphore(%run_scoped3A : memref<!tpu.dma_semaphore, #tpu.memory_space<semaphore_mem>>) src(%dma_wait3A_74 : memref<2x3200xi32, #tpu.memory_space<hbm>>) dst(%arg5 : memref<2x3200xi32, #tpu.memory_space<vmem>>)
        tpu.yield
      }) : () -> ()
      "tpu.region"() ({
        %run_scoped3A = tpu.sem_alloc : memref<!tpu.dma_semaphore, #tpu.memory_space<semaphore_mem>>
        %dma_start3A_67 = arith.constant 0 : i32
        %dma_start3A_68 = tpu.memref_slice %arg3[%dma_start3A_67, %mul3A_63] : memref<2x6400000xf32, #tpu.memory_space<hbm>> -> memref<2x3200xf32, #tpu.memory_space<hbm>>
        %dma_start3A_69 = arith.constant 0 : i32
        %dma_start3A_70 = tpu.memref_slice %arg3[%dma_start3A_69, %mul3A_63] : memref<2x6400000xf32, #tpu.memory_space<hbm>> -> memref<2x3200xf32, #tpu.memory_space<hbm>>
        tpu.enqueue_dma source(%dma_start3A_70 : memref<2x3200xf32, #tpu.memory_space<hbm>>) target(%arg6 : memref<2x3200xf32, #tpu.memory_space<vmem>>) target_semaphore(%run_scoped3A : memref<!tpu.dma_semaphore, #tpu.memory_space<semaphore_mem>>)
        %dma_wait3A_71 = arith.constant 0 : i32
        %dma_wait3A_72 = tpu.memref_slice %arg3[%dma_wait3A_71, %mul3A_63] : memref<2x6400000xf32, #tpu.memory_space<hbm>> -> memref<2x3200xf32, #tpu.memory_space<hbm>>
        %dma_wait3A_73 = arith.constant 0 : i32
        %dma_wait3A_74 = tpu.memref_slice %arg3[%dma_wait3A_73, %mul3A_63] : memref<2x6400000xf32, #tpu.memory_space<hbm>> -> memref<2x3200xf32, #tpu.memory_space<hbm>>
        tpu.wait_dma2 semaphore(%run_scoped3A : memref<!tpu.dma_semaphore, #tpu.memory_space<semaphore_mem>>) src(%dma_wait3A_74 : memref<2x3200xf32, #tpu.memory_space<hbm>>) dst(%arg6 : memref<2x3200xf32, #tpu.memory_space<vmem>>)
        tpu.yield
      }) : () -> ()
      %parallel_loop3A_64 = arith.constant 0 : i32
      %parallel_loop3A_65 = arith.constant 200 : i32
      %parallel_loop3A_66 = arith.constant 1 : i32
      scf.for %parallel_loop3A_67 = %parallel_loop3A_64 to %parallel_loop3A_65 step %parallel_loop3A_66  : i32 {
        %parallel_loop3A_68 = arith.constant 16 : i32
        %parallel_loop3A_69 = arith.muli %parallel_loop3A_67, %parallel_loop3A_68 : i32
        %parallel_loop3A_70 = arith.constant 0 : i32
        %parallel_loop3A_71 = arith.index_cast %parallel_loop3A_70 : i32 to index
        %parallel_loop3A_72 = arith.index_cast %parallel_loop3A_69 : i32 to index
        %parallel_loop3A_73 = tpu.vector_load %arg5[%parallel_loop3A_71, %parallel_loop3A_72] {strides = array<i32>} : memref<2x3200xi32, #tpu.memory_space<vmem>>, vector<16xi32>,
        %parallel_loop3A_74 = arith.constant 1 : i32
        %parallel_loop3A_75 = arith.index_cast %parallel_loop3A_74 : i32 to index
        %parallel_loop3A_76 = arith.index_cast %parallel_loop3A_69 : i32 to index
        %parallel_loop3A_77 = tpu.vector_load %arg6[%parallel_loop3A_75, %parallel_loop3A_76] {strides = array<i32>} : memref<2x3200xf32, #tpu.memory_space<vmem>>, vector<16xf32>,
        tpu.vector_store_idx %arg9[%parallel_loop3A_73], %parallel_loop3A_77 {add = true} : memref<100352xf32, #tpu.memory_space<vmem>>[vector<16xi32>], vector<16xf32>,
      } {sc.loop_unroll_factor = 20 : i64, sc.parallel_access}
    } else {
    }
    %mul3A_58 = arith.constant 100352 : i32
    %mul3A_59 = arith.muli %add3A, %mul3A_58 : i32
    "tpu.region"() ({
      %run_scoped3A = tpu.sem_alloc : memref<!tpu.dma_semaphore, #tpu.memory_space<semaphore_mem>>
      %dma_start3A_60 = tpu.memref_slice %arg4[%mul3A_59] : memref<3211264xf32, #tpu.memory_space<hbm>> -> memref<100352xf32, #tpu.memory_space<hbm>>
      %dma_start3A_61 = tpu.memref_slice %arg4[%mul3A_59] : memref<3211264xf32, #tpu.memory_space<hbm>> -> memref<100352xf32, #tpu.memory_space<hbm>>
      tpu.enqueue_dma source(%arg9 : memref<100352xf32, #tpu.memory_space<vmem>>) target(%dma_start3A_61 : memref<100352xf32, #tpu.memory_space<hbm>>) target_semaphore(%run_scoped3A : memref<!tpu.dma_semaphore, #tpu.memory_space<semaphore_mem>>)
      %dma_wait3A_62 = tpu.memref_slice %arg4[%mul3A_59] : memref<3211264xf32, #tpu.memory_space<hbm>> -> memref<100352xf32, #tpu.memory_space<hbm>>
      %dma_wait3A_63 = tpu.memref_slice %arg4[%mul3A_59] : memref<3211264xf32, #tpu.memory_space<hbm>> -> memref<100352xf32, #tpu.memory_space<hbm>>
      tpu.wait_dma2 semaphore(%run_scoped3A : memref<!tpu.dma_semaphore, #tpu.memory_space<semaphore_mem>>) src(%arg9 : memref<100352xf32, #tpu.memory_space<vmem>>) dst(%dma_wait3A_63 : memref<100352xf32, #tpu.memory_space<hbm>>)
      tpu.yield
    }) : () -> ()
    return
  }
}

module attributes {stable_mosaic.version = 14 : i64} {
  func.func @_fin_body(%arg0: i32, %arg1: memref<2x100352xf32, #tpu.memory_space<vmem>>, %arg2: memref<1605632xf32, #tpu.memory_space<vmem>>, %arg3: memref<3x100352xf32, #tpu.memory_space<vmem>>) attributes {dimension_semantics = [#tpu.dimension_semantics<arbitrary>], iteration_bounds = array<i64: 2>, scalar_prefetch = 0 : i64, scratch_operands = 0 : i64, tpu.core_type = #tpu.core_type<tc>, window_params = [{transform_indices = @transform_0, window_bounds = array<i64: 2, 100352>}, {transform_indices = @transform_1, window_bounds = array<i64: 1605632>}, {transform_indices = @transform_2, window_bounds = array<i64: 3, 100352>}]} {
    %get3A = arith.constant 0 : index
    %get3A_0 = vector.load %arg2[%get3A] : memref<1605632xf32, #tpu.memory_space<vmem>>, vector<100352xf32>
    %get3A_1 = arith.constant 100352 : index
    %get3A_2 = vector.load %arg2[%get3A_1] : memref<1605632xf32, #tpu.memory_space<vmem>>, vector<100352xf32>
    %add3A = arith.addf %get3A_0, %get3A_2 : vector<100352xf32>
    %get3A_3 = arith.constant 200704 : index
    %get3A_4 = vector.load %arg2[%get3A_3] : memref<1605632xf32, #tpu.memory_space<vmem>>, vector<100352xf32>
    %add3A_5 = arith.addf %add3A, %get3A_4 : vector<100352xf32>
    %get3A_6 = arith.constant 301056 : index
    %get3A_7 = vector.load %arg2[%get3A_6] : memref<1605632xf32, #tpu.memory_space<vmem>>, vector<100352xf32>
    %add3A_8 = arith.addf %add3A_5, %get3A_7 : vector<100352xf32>
    %get3A_9 = arith.constant 401408 : index
    %get3A_10 = vector.load %arg2[%get3A_9] : memref<1605632xf32, #tpu.memory_space<vmem>>, vector<100352xf32>
    %add3A_11 = arith.addf %add3A_8, %get3A_10 : vector<100352xf32>
    %get3A_12 = arith.constant 501760 : index
    %get3A_13 = vector.load %arg2[%get3A_12] : memref<1605632xf32, #tpu.memory_space<vmem>>, vector<100352xf32>
    %add3A_14 = arith.addf %add3A_11, %get3A_13 : vector<100352xf32>
    %get3A_15 = arith.constant 602112 : index
    %get3A_16 = vector.load %arg2[%get3A_15] : memref<1605632xf32, #tpu.memory_space<vmem>>, vector<100352xf32>
    %add3A_17 = arith.addf %add3A_14, %get3A_16 : vector<100352xf32>
    %get3A_18 = arith.constant 702464 : index
    %get3A_19 = vector.load %arg2[%get3A_18] : memref<1605632xf32, #tpu.memory_space<vmem>>, vector<100352xf32>
    %add3A_20 = arith.addf %add3A_17, %get3A_19 : vector<100352xf32>
    %get3A_21 = arith.constant 802816 : index
    %get3A_22 = vector.load %arg2[%get3A_21] : memref<1605632xf32, #tpu.memory_space<vmem>>, vector<100352xf32>
    %add3A_23 = arith.addf %add3A_20, %get3A_22 : vector<100352xf32>
    %get3A_24 = arith.constant 903168 : index
    %get3A_25 = vector.load %arg2[%get3A_24] : memref<1605632xf32, #tpu.memory_space<vmem>>, vector<100352xf32>
    %add3A_26 = arith.addf %add3A_23, %get3A_25 : vector<100352xf32>
    %get3A_27 = arith.constant 1003520 : index
    %get3A_28 = vector.load %arg2[%get3A_27] : memref<1605632xf32, #tpu.memory_space<vmem>>, vector<100352xf32>
    %add3A_29 = arith.addf %add3A_26, %get3A_28 : vector<100352xf32>
    %get3A_30 = arith.constant 1103872 : index
    %get3A_31 = vector.load %arg2[%get3A_30] : memref<1605632xf32, #tpu.memory_space<vmem>>, vector<100352xf32>
    %add3A_32 = arith.addf %add3A_29, %get3A_31 : vector<100352xf32>
    %get3A_33 = arith.constant 1204224 : index
    %get3A_34 = vector.load %arg2[%get3A_33] : memref<1605632xf32, #tpu.memory_space<vmem>>, vector<100352xf32>
    %add3A_35 = arith.addf %add3A_32, %get3A_34 : vector<100352xf32>
    %get3A_36 = arith.constant 1304576 : index
    %get3A_37 = vector.load %arg2[%get3A_36] : memref<1605632xf32, #tpu.memory_space<vmem>>, vector<100352xf32>
    %add3A_38 = arith.addf %add3A_35, %get3A_37 : vector<100352xf32>
    %get3A_39 = arith.constant 1404928 : index
    %get3A_40 = vector.load %arg2[%get3A_39] : memref<1605632xf32, #tpu.memory_space<vmem>>, vector<100352xf32>
    %add3A_41 = arith.addf %add3A_38, %get3A_40 : vector<100352xf32>
    %get3A_42 = arith.constant 1505280 : index
    %get3A_43 = vector.load %arg2[%get3A_42] : memref<1605632xf32, #tpu.memory_space<vmem>>, vector<100352xf32>
    %add3A_44 = arith.addf %add3A_41, %get3A_43 : vector<100352xf32>
    %eq3A = arith.constant 0 : i32
    %eq3A_45 = arith.cmpi eq, %arg0, %eq3A : i32
    %convert_element_type3A = arith.extui %eq3A_45 : i1 to i32
    %cond3A = arith.constant 0 : i32
    %cond3A_46 = arith.cmpi ne, %convert_element_type3A, %cond3A : i32
    scf.if %cond3A_46 {
      %get3A_51 = arith.constant 0 : index
      %get3A_52 = arith.constant 0 : index
      %get3A_53 = vector.load %arg1[%get3A_51, %get3A_52] : memref<2x100352xf32, #tpu.memory_space<vmem>>, vector<1x100352xf32>
      %get3A_54 = vector.shape_cast %get3A_53 : vector<1x100352xf32> to vector<100352xf32>
      %swap3A = arith.constant 0 : index
      %swap3A_55 = arith.constant 0 : index
      %swap3A_56 = vector.load %arg3[%swap3A, %swap3A_55] : memref<3x100352xf32, #tpu.memory_space<vmem>>, vector<1x100352xf32>
      %swap3A_57 = vector.shape_cast %swap3A_56 : vector<1x100352xf32> to vector<100352xf32>
      %swap3A_58 = vector.shape_cast %get3A_54 : vector<100352xf32> to vector<1x100352xf32>
      tpu.vector_store %arg3[%swap3A, %swap3A_55], %swap3A_58 {strides = array<i32>} : memref<3x100352xf32, #tpu.memory_space<vmem>>, vector<1x100352xf32>,
      %get3A_59 = arith.constant 1 : index
      %get3A_60 = arith.constant 0 : index
      %get3A_61 = vector.load %arg1[%get3A_59, %get3A_60] : memref<2x100352xf32, #tpu.memory_space<vmem>>, vector<1x100352xf32>
      %get3A_62 = vector.shape_cast %get3A_61 : vector<1x100352xf32> to vector<100352xf32>
      %swap3A_63 = arith.constant 1 : index
      %swap3A_64 = arith.constant 0 : index
      %swap3A_65 = vector.load %arg3[%swap3A_63, %swap3A_64] : memref<3x100352xf32, #tpu.memory_space<vmem>>, vector<1x100352xf32>
      %swap3A_66 = vector.shape_cast %swap3A_65 : vector<1x100352xf32> to vector<100352xf32>
      %swap3A_67 = vector.shape_cast %get3A_62 : vector<100352xf32> to vector<1x100352xf32>
      tpu.vector_store %arg3[%swap3A_63, %swap3A_64], %swap3A_67 {strides = array<i32>} : memref<3x100352xf32, #tpu.memory_space<vmem>>, vector<1x100352xf32>,
      %sub3A = arith.subf %get3A_54, %add3A_44 : vector<100352xf32>
      %swap3A_68 = arith.constant 2 : index
      %swap3A_69 = arith.constant 0 : index
      %swap3A_70 = vector.load %arg3[%swap3A_68, %swap3A_69] : memref<3x100352xf32, #tpu.memory_space<vmem>>, vector<1x100352xf32>
      %swap3A_71 = vector.shape_cast %swap3A_70 : vector<1x100352xf32> to vector<100352xf32>
      %swap3A_72 = vector.shape_cast %sub3A : vector<100352xf32> to vector<1x100352xf32>
      tpu.vector_store %arg3[%swap3A_68, %swap3A_69], %swap3A_72 {strides = array<i32>} : memref<3x100352xf32, #tpu.memory_space<vmem>>, vector<1x100352xf32>,
    } else {
    }
    %ne3A = arith.constant 0 : i32
    %ne3A_47 = arith.cmpi ne, %arg0, %ne3A : i32
    %convert_element_type3A_48 = arith.extui %ne3A_47 : i1 to i32
    %cond3A_49 = arith.constant 0 : i32
    %cond3A_50 = arith.cmpi ne, %convert_element_type3A_48, %cond3A_49 : i32
    scf.if %cond3A_50 {
      %get3A_51 = arith.constant 2 : index
      %get3A_52 = arith.constant 0 : index
      %get3A_53 = vector.load %arg3[%get3A_51, %get3A_52] : memref<3x100352xf32, #tpu.memory_space<vmem>>, vector<1x100352xf32>
      %get3A_54 = vector.shape_cast %get3A_53 : vector<1x100352xf32> to vector<100352xf32>
      %sub3A = arith.subf %get3A_54, %add3A_44 : vector<100352xf32>
      %swap3A = arith.constant 2 : index
      %swap3A_55 = arith.constant 0 : index
      %swap3A_56 = vector.load %arg3[%swap3A, %swap3A_55] : memref<3x100352xf32, #tpu.memory_space<vmem>>, vector<1x100352xf32>
      %swap3A_57 = vector.shape_cast %swap3A_56 : vector<1x100352xf32> to vector<100352xf32>
      %swap3A_58 = vector.shape_cast %sub3A : vector<100352xf32> to vector<1x100352xf32>
      tpu.vector_store %arg3[%swap3A, %swap3A_55], %swap3A_58 {strides = array<i32>} : memref<3x100352xf32, #tpu.memory_space<vmem>>, vector<1x100352xf32>,
    } else {
    }
    return
  }
  func.func @transform_0(%arg0: i32) -> (i32, i32) {
    %c0_i32 = arith.constant 0 : i32
    %c0_i32_0 = arith.constant 0 : i32
    %c0_i32_1 = arith.constant 0 : i32
    return %c0_i32, %c0_i32_0 : i32, i32
  }
  func.func @transform_1(%arg0: i32) -> i32 {
    %c0_i32 = arith.constant 0 : i32
    return %arg0 : i32
  }
  func.func @transform_2(%arg0: i32) -> (i32, i32) {
    %c0_i32 = arith.constant 0 : i32
    %c0_i32_0 = arith.constant 0 : i32
    %c0_i32_1 = arith.constant 0 : i32
    return %c0_i32, %c0_i32_0 : i32, i32
  }
}

</mosaic_0001>

<sc_bundles>
// kernel: kernel.4.cloned.1.call-start
scs
__scs_entry_jumppad:
0x0: {  	(pc) =	sbr.rel $0x88, $3  }
0x1: {  	(tag) =	ssettag $0x0;
	lr =	simm.s32 $0x1  }
0x2: {  	[smem:$0x3F9E] =	sst lr;
	_ =	strace $0xD0000000  }
0x3: {  	_ = 	snop  }
0x4: {  	_ = 	snop  }
0x5: {  	_ = 	snop  }
0x6: {  	_ = 	snop  }
0x7: {  	_ = 	snop  }
__scs_overlays_trampoline_lowered:
0x8: {  	[smem:$0x3FAD] =	sst s0  }
0x9: {  	[smem:$0x3FAE] =	sst s1  }
0xa: {  	[smem:$0x3FAF] =	sst s2  }
0xb: {  	[smem:$0x3FB0] =	sst s3  }
0xc: {  	[smem:$0x3FB1] =	sst s4  }
0xd: {  	[smem:$0x3FB2] =	sst s5  }
0xe: {  	[smem:$0x3FB3] =	sst s6  }
0xf: {  	[smem:$0x3FB4] =	sst s7  }
0x10: {  	[smem:$0x3FB5] =	sst s8  }
0x11: {  	[smem:$0x3FB6] =	sst s9;
	s0 =	simm.s32 @!p0 $0x0  }
0x12: {  	s1 =	sld [smem:$0x3F9C];
	s0 =	simm.s32 @p0 $0x1  }
0x13: {  	[smem:$0x3FB7] =	sst s0;
	s0 =	simm.s32 @!p1 $0x0  }
0x14: {  	s2 =	sld [smem:$0x3F9B];
	s0 =	simm.s32 @p1 $0x1  }
0x15: {  	[smem:$0x3FB8] =	sst s0;
	s0 =	simm.s32 @!p2 $0x0  }
0x16: {  	s3 =	sld [smem:$0x3FDB];
	s0 =	simm.s32 @p2 $0x1  }
0x17: {  	s4 =	simm.s32 $0x1BF5;
	[smem:$0x3FBA] =	sst s0  }
0x18: {  	s0 =	sld [smem:$0x3F9D];
	_ =	swait.ge [sflag:s4], $0x0  }
0x19: {  	s7 =	sld [smem:$0x3F9E]  }
0x1a: {  	s8 =	sadd.s32 $0xFFFFE003, lr  }
0x1b: {  	s9 =	sadd.s32 $0xFFFFFEF7, lr;
	s5 =	simm.s32 $0xFFFFFFFF;
	p2 =	slt.u32 s8, $0xFFFFF086  }
0x1c: {  	p1 =	slt.u32 s9, $0xF7A;
	s5 =	simm.s32 @!p2 $0x0  }
0x1d: {  	s5 =	simm.s32 @p1 $0x1;
	p0 =	seq.s32 s7, s2  }
0x1e: {  	s7 =	smul.u32 @!p0 $0xF7A, s2;
	p2 =	seq.s32 @!p0 s5, $0x0  }
0x1f: {  	s9 =	smul.u32 $0xF7A, s1;
	s8 =	simm.s32 @!p0 $0x1BF5;
	p2 =	por !p2, p0  }
0x20: {  	[sflag:s8] =	ssyncset.s32 @!p0 $0xFFFFF086;
	s6 =	sadd.s32 @!p0 s3, s7;
	s7 =	simm.s32 @!p0 $0x108  }
0x21: {  	s3 =	sadd.s32 s3, s9;
	s6 =	sadd.s32 @!p0 $0x88, s6;
	s7 =	simm.s32 @p2 $0x1082  }
0x22: {  	[simem:s7], [sflag:s8] =	dma.local @!p0 [hbm:s6], $0xF7A  }
0x23: {  	s9 =	sor.u32 $0xD0000000, s2;
	s6 =	simm.s32 $0x108;
	_ =	swait.ge @!p0 [sflag:s8], $0x0  }
0x24: {  	s3 =	sadd.s32 $0x88, s3;
	s6 =	simm.s32 @!p1 $0x1082;
	[sflag:s4] =	ssyncset.s32 $0xFFFFF086  }
0x25: {  	[simem:s6], [sflag:s4] =	dma.local [hbm:s3], $0xF7A  }
0x26: {  	[smem:$0x3F9E] =	sst s1;
	(tag) =	ssettag s2;
	_ =	strace s9  }
0x27: {  	s1 =	sld [smem:$0x3FAE]  }
0x28: {  	s2 =	sld [smem:$0x3FAF]  }
0x29: {  	s4 =	sld [smem:$0x3FB1]  }
0x2a: {  	p0 =	seq.s32 s5, $0x0;
	s5 =	sld [smem:$0x3FB2]  }
0x2b: {  	s6 =	sld [smem:$0x3FB3]  }
0x2c: {  	s7 =	sld [smem:$0x3FB4]  }
0x2d: {  	s3 =	simm.s32 $0x108;
	s8 =	sld [smem:$0x3FB5]  }
0x2e: {  	s3 =	simm.s32 @!p0 $0x1082;
	s9 =	sld [smem:$0x3FB6]  }
0x2f: {  	lr =	sadd.s32 s0, s3;
	s0 =	sld [smem:$0x3FAD]  }
0x30: {  	s3 =	sld [smem:$0x3FB0]  }
0x31: {  	[smem:$0x3FB9] =	sst s10  }
0x32: {  	s10 =	sld [smem:$0x3FB7];
	_ =	sdelay $0x3  }
0x33: {  	p0 =	seq.s32 s10, $0x1;
	s10 =	sld [smem:$0x3FB9];
	_ =	sdelay $0x3  }
0x34: {  	[smem:$0x3FB9] =	sst s10  }
0x35: {  	s10 =	sld [smem:$0x3FB8];
	_ =	sdelay $0x3  }
0x36: {  	p1 =	seq.s32 s10, $0x1;
	s10 =	sld [smem:$0x3FB9];
	_ =	sdelay $0x3  }
0x37: {  	[smem:$0x3FB9] =	sst s10  }
0x38: {  	s10 =	sld [smem:$0x3FBA]  }
0x39: {  	_ = 	snop;
	(pc) =	sbr.ind lr, $3  }
0x3a: {  	_ = 	snop  }
0x3b: {  	_ = 	snop  }
0x3c: {  	p2 =	seq.s32 s10, $0x1;
	s10 =	sld [smem:$0x3FB9]  }
0x3d: {  	_ =	shalt  }
0x3e: {  	_ =	shalt  }
0x3f: {  	_ =	shalt  }
0x40: {  	_ =	shalt  }
0x41: {  	_ =	shalt  }
0x42: {  	_ =	shalt  }
0x43: {  	_ =	shalt  }
0x44: {  	_ =	shalt  }
0x45: {  	_ =	shalt  }
0x46: {  	_ =	shalt  }
0x47: {  	_ =	shalt  }
0x48: {  	_ =	shalt  }
0x49: {  	_ =	shalt  }
0x4a: {  	_ =	shalt  }
0x4b: {  	_ =	shalt  }
0x4c: {  	_ =	shalt  }
0x4d: {  	_ =	shalt  }
0x4e: {  	_ =	shalt  }
0x4f: {  	_ =	shalt  }
0x50: {  	_ =	shalt  }
0x51: {  	_ =	shalt  }
0x52: {  	_ =	shalt  }
0x53: {  	_ =	shalt  }
0x54: {  	_ =	shalt  }
0x55: {  	_ =	shalt  }
0x56: {  	_ =	shalt  }
0x57: {  	_ =	shalt  }
0x58: {  	_ =	shalt  }
0x59: {  	_ =	shalt  }
0x5a: {  	_ =	shalt  }
0x5b: {  	_ =	shalt  }
0x5c: {  	_ =	shalt  }
0x5d: {  	_ =	shalt  }
0x5e: {  	_ =	shalt  }
0x5f: {  	_ =	shalt  }
0x60: {  	_ =	shalt  }
0x61: {  	_ =	shalt  }
0x62: {  	_ =	shalt  }
0x63: {  	_ =	shalt  }
0x64: {  	_ =	shalt  }
0x65: {  	_ =	shalt  }
0x66: {  	_ =	shalt  }
0x67: {  	_ =	shalt  }
0x68: {  	_ =	shalt  }
0x69: {  	_ =	shalt  }
0x6a: {  	_ =	shalt  }
0x6b: {  	_ =	shalt  }
0x6c: {  	_ =	shalt  }
0x6d: {  	_ =	shalt  }
0x6e: {  	_ =	shalt  }
0x6f: {  	_ =	shalt  }
0x70: {  	_ =	shalt  }
0x71: {  	_ =	shalt  }
0x72: {  	_ =	shalt  }
0x73: {  	_ =	shalt  }
0x74: {  	_ =	shalt  }
0x75: {  	_ =	shalt  }
0x76: {  	_ =	shalt  }
0x77: {  	_ =	shalt  }
0x78: {  	_ =	shalt  }
0x79: {  	_ =	shalt  }
0x7a: {  	_ =	shalt  }
0x7b: {  	_ =	shalt  }
0x7c: {  	_ =	shalt  }
0x7d: {  	_ =	shalt  }
0x7e: {  	_ =	shalt  }
0x7f: {  	_ =	shalt  }
0x80: {  	_ =	shalt  }
0x81: {  	_ =	shalt  }
0x82: {  	_ =	shalt  }
0x83: {  	_ =	shalt  }
0x84: {  	_ =	shalt  }
0x85: {  	_ =	shalt  }
0x86: {  	_ =	shalt  }
0x87: {  	_ =	shalt  }
.Lfunc_end0:
.L_simem_size_0:
called_computation_lowered:
.L_overlay_start_0:
0x88: {  	s2 =	sld [smem:$0x3FD9]  }
0x89: {  	s3 =	sld [smem:$0x3FFE];
	_ =	sdelay $0x1  }
0x8a: {  	s1 =	srdreg.scid  }
0x8b: {  	s0 =	sand.u32 $0x1, s1  }
0x8c: {  	s17 =	sshll.u32 s0, $0xA;
	s2 =	sadd.s32 s3, s2  }
0x8d: {  	s2 =	sadd.s32 s2, s17  }
0x8e: {  	[smem:$0x3FC5] =	sst s2  }
0x8f: {  	_ = 	snop  }
0x90: {  	s2 =	sld [smem:$0x3FC8]  }
0x91: {  	s18 =	sld [smem:$0x3FC7];
	(tm) =	ssettm $0x1  }
0x92: {  	s4 =	sld [smem:$0x3FFB];
	_ =	sdelay $0x3  }
0x93: {  	_ =	strace s4  }
0x94: {  	s4 =	sld [smem:$0x3FFC];
	_ =	sdelay $0x3  }
0x95: {  	_ =	strace s4  }
0x96: {  	s4 =	sld [smem:$0x3FFD];
	_ =	sdelay $0x3  }
0x97: {  	_ =	strace s4  }
0x98: {  	_ =	strace $0x8FFFFFFF  }
0x99: {  	s19 =	sld [smem:$0x3FDB];
	_ =	sdelay $0x1  }
0x9a: {  	s5 =	simm.s32 $_scs_section_size  }
0x9b: {  	s6 =	simm.s32 $_size__tile_overlayer_lowered;
	s7 =	simm.s32 $_tile_overlayer_lowered  }
0x9c: {  	s22 =	simm.s32 $0x1BFF;
	s21 =	sshll.u32 s7, $0x1;
	s4 =	sadd.s32 s5, s19  }
0x9d: {  	s8 =	simm.s32 $0x0;
	s20 =	sshll.u32 s6, $0x1;
	s6 =	sadd.s32 s21, s4  }
0x9e: {  	[timem:s8], [sflag:s22] =	dma.local [hbm:s6], s20  }
0x9f: {  	_ =	swait.ge [sflag:s22], s20  }
0xa0: {  	s5 =	ssub.s32 $0x0, s20;
	[sflag:s22] =	ssyncset.done $0x0  }
0xa1: {  	[sflag:s22] =	ssyncadd.s32 s5;
	_ =	sdelay $0x1  }
0xa2: {  	s23 =	simm.s32 $0x1B8B  }
0xa3: {  	_ =	swait.ge [sflag:s23], $0x1  }
0xa4: {  	[sflag:s23] =	ssyncset.done $0x0  }
0xa5: {  	s25 =	simm.s32 $0x1B8E;
	s24 =	sld [smem:$0x3FFE];
	[sflag:s23] =	ssyncadd.s32 $0xFFFFFFFF  }
0xa6: {  	s26 =	simm.s32 $execute0_lowered;
	[smem:$0x3FD2] =	sst s25  }
0xa7: {  	s6 =	sshll.u32 s26, $0x1;
	_ =	strace $0x80000046;
	[dreg:$0x1] =	wrdreg $0xFFFFFFFF  }
0xa8: {  	s28 =	simm.s32 $_size_execute0_lowered;
	s4 =	sadd.s32 s4, s6;
	[dreg:$0x0] =	wrdreg $0x0  }
0xa9: {  	s6 =	sshll.u32 s28, $0x1;
	[dreg:$0x2] =	wrdreg s4  }
0xaa: {  	[dreg:$0x3] =	wrdreg s6  }
0xab: {  	[dreg:$0x4] =	wrdreg $0xC0  }
0xac: {  	_ =	task [dreg:s8], $0x5FFFF  }
0xad: {  	[dreg:$0x1] =	wrdreg $0xFFFFFFFF  }
0xae: {  	[dreg:$0x0] =	wrdreg $0x60  }
0xaf: {  	[dreg:$0x2] =	wrdreg s2  }
0xb0: {  	[dreg:$0x3] =	wrdreg s18  }
0xb1: {  	[dreg:$0x4] =	wrdreg s24  }
0xb2: {  	[dreg:$0x5] =	wrdreg $0x9  }
0xb3: {  	_ =	task.clear_ibuf [dreg:s8], $0x6FFFF;
	_ =	strace $0x90000046  }
0xb4: {  	s29 =	simm.s32 $0x9;
	_ =	strace $0x80000048  }
0xb5: {  	_ =	swait.ge [sflag:s29], $0x1  }
0xb6: {  	[sflag:s29] =	ssyncadd.s32 $0xFFFFFFFF  }
0xb7: {  	_ =	strace $0x90000048  }
0xb8: {  	_ =	sfence  }
0xb9: {  	s30 =	sld [smem:$0x0];
	_ =	sdelay $0x2  }
0xba: {  	s31 =	sshll.u32 s1, $0xD;
	s1 =	sshrl.u32 s1, $0x2  }
0xbb: {  	s3 =	sand.u32 $0x4000, s31;
	s1 =	sadd.s32 s1, s30  }
0xbc: {  	s0 =	sor.u32 s3, s0;
	s1 =	sshll.u32 s1, $0x11  }
0xbd: {  	s0 =	sor.u32 s1, s0  }
0xbe: {  	s0 =	sadd.s32 $0x8F2B, s0  }
0xbf: {  	[sflag:s0] =	ssyncadd.remote.s32 $0x1  }
0xc0: {  	_ =	sfence.sel $0xFFFF  }
0xc1: {  	[dreg:$0x0] =	wrdreg $0xFFFFFFFF;
	(pc) =	sbr.abs _section_cstart, $3  }
0xc2: {  	[dreg:$0x1] =	wrdreg $0xFFFFFFFF  }
0xc3: {  	_ =	task.clear_ibuf [dreg:s8], $0x2FFFF;
	_ =	strace $0x9FFFFFFF  }
0xc4: {  	(tm) =	ssettm $0x7FFFFFFF  }
0xc5: {  	_ =	shalt  }
tec
execute0_lowered:
.L_overlay_start_1:
0x0: {  	(tag) =	ssettag $0x1  }
0x1: {  	s0 =	srdreg.scid;
	s1 =	stileid.u32  }
0x2: {  	s3 =	rddreg [dreg:$0x0];
	s0 =	sand.u32 $0x1, s0;
	s2 =	sshll.u32 s1, $0x1  }
0x3: {  	s4 =	rddreg [dreg:$0x1];
	s9 =	simm.s32 $0x0;
	s2 =	sor.u32 s0, s2  }
0x4: {  	[smem:$0x7FF] =	sst s9;
	s6 =	smul.u32 $0x3100, s2  }
0x5: {  	s5 =	rddreg [dreg:$0x2];
	_ =	strace $0x80000047;
	s7 =	smul.u32 $0x1900, s2  }
0x6: {  	s0 =	ssub.s32 $0x2, s0;
	s8 =	smul.u32 $0x320, s2;
	s29 =	sor.u32 $0x40, s2  }
0x7: {  	s24 =	sshrl.u32 s0, $0x1;
	s2 =	sor.u32 $0x60, s2;
	[smem:$0x7F8] =	sst s29  }
0x8: {  	s0 =	ssub.s32 s0, s24;
	[smem:$0x7F9] =	sst s2;
	s25 =	sadd.s32 s3, s8  }
0x9: {  	s5 =	sadd.s32 s6, s5;
	s8 =	sadd.s32 s4, s8;
	[smem:$0x7F4] =	sst s25  }
0xa: {  	s7 =	sshrl.u32 s7, $0x3;
	s0 =	smax.u32 s0, $0x1;
	[smem:$0x7F5] =	sst s8  }
0xb: {  	s26 =	sadd.s32 $0x6400, s7;
	s31 =	sadd.s32 $0x800, s5;
	[smem:$0x7FD] =	sst s0  }
.Ltmp0:
0xc: {  	s28 =	sadd.s32 s3, s26;
	[smem:$0x7FC] =	sst s31;
	(pc) =	sbr.rel .LBB2_1-.Ltmp0, $4  }
0xd: {  	s30 =	sadd.s32 $0x183800, s7;
	s6 =	sadd.s32 s4, s26;
	[smem:$0x7F6] =	sst s28  }
0xe: {  	s3 =	sadd.s32 s3, s30;
	[smem:$0x7F7] =	sst s6  }
0xf: {  	s10 =	simm.s32 $0x6400;
	s2 =	sadd.s32 s4, s30;
	[smem:$0x7FA] =	sst s3  }
0x10: {  	v0 =	vimm.f32 $0.0e+00;
	p0 =	sgt.u32 s1, $0x7;
	[smem:$0x7FB] =	sst s2;
	s2 =	simm.s32 $0x0  }
.LBB2_13:
0x11: {  	s0 =	sld [smem:$0x7FC];
	_ =	sdelay $0x1  }
0x12: {  	s1 =	simm.s32 $0x5  }
0x13: {  	[hbm4b:s0+s9] =	stream.linear.scatter [tilespmem:s10], [sflag:$0x5], $0x18800, $0x38;
	[tilespmem:$0x1EC00] =	vst v63  }
0x14: {  	_ =	swait.ge [sflag:s1], $0x18800  }
0x15: {  	s31 =	sld [smem:$0x7FD];
	_ =	sdelay $0x1  }
0x16: {  	s2 =	sadd.s32 $0x1, s2  }
0x17: {  	p1 =	sne.s32 s2, s31  }
.Ltmp1:
0x18: {  	_ = 	snop;
	(pc) =	sbr.rel @!p1 .LBB2_14-.Ltmp1, $3  }
0x19: {  	_ =	sdelay $0x1  }
0x1a: {  	[sflag:s1] =	ssyncset.done $0x0  }
0x1b: {  	[sflag:s1] =	ssyncadd.s32 $0xFFFE7800  }
.LBB2_1:
0x1c: {  	s0 =	sld [smem:$0x7F4];
	_ =	sdelay $0x1  }
0x1d: {  	s26 =	sld [smem:$0x7F5]  }
0x1e: {  	[tilespmem:s9], [sflag:$0x1] =	stream.linear.gather [hbm4b:s0+s9], $0x1900, $0x38;
	[tilespmem:$0x1EC00] =	vst v63  }
0x1f: {  	s1 =	simm.s32 $0x1900;
	s28 =	sld [smem:$0x7F6]  }
0x20: {  	[tilespmem:s1], [sflag:$0x2] =	stream.linear.gather [hbm4b:s26+s9], $0x1900, $0x38;
	[tilespmem:$0x1EC00] =	vst v63  }
0x21: {  	s29 =	simm.s32 $0x3200;
	s30 =	sld [smem:$0x7F7]  }
0x22: {  	[tilespmem:s29], [sflag:$0x3] =	stream.linear.gather [hbm4b:s28+s9], $0x1900, $0x38;
	[tilespmem:$0x1EC00] =	vst v63  }
0x23: {  	[smem:$0x7F3] =	sst s2;
	s31 =	simm.s32 $0x4B00;
	s0 =	simm.s32 $0x6480  }
0x24: {  	[tilespmem:s31], [sflag:$0x4] =	stream.linear.gather [hbm4b:s30+s9], $0x1900, $0x38;
	[tilespmem:$0x1EC00] =	vst v63  }
0x25: {  	[tilespmem:s0+$0xFFFFFF80] =	vst v0  }
0x26: {  	[tilespmem:s0+$0x70] =	vst v0  }
0x27: {  	[tilespmem:s0+$0x60] =	vst v0  }
0x28: {  	[tilespmem:s0+$0x50] =	vst v0  }
0x29: {  	[tilespmem:s0+$0x40] =	vst v0  }
0x2a: {  	[tilespmem:s0+$0x30] =	vst v0  }
0x2b: {  	[tilespmem:s0+$0x20] =	vst v0  }
0x2c: {  	[tilespmem:s0+$0x10] =	vst v0  }
0x2d: {  	[tilespmem:s0+$0x0] =	vst v0  }
0x2e: {  	[tilespmem:s0+$0xFFFFFFF0] =	vst v0  }
0x2f: {  	[tilespmem:s0+$0xFFFFFFE0] =	vst v0  }
0x30: {  	[tilespmem:s0+$0xFFFFFFD0] =	vst v0  }
0x31: {  	[tilespmem:s0+$0xFFFFFFC0] =	vst v0  }
0x32: {  	[tilespmem:s0+$0xFFFFFFB0] =	vst v0  }
0x33: {  	s2 =	simm.s32 $0x0;
	[tilespmem:s0+$0xFFFFFFA0] =	vst v0  }
.LBB2_2:
0x34: {  	s2 =	sadd.s32 $0x10, s2;
	[tilespmem:s0+$0xFFFFFF90] =	vst v0;
	s0 =	sadd.s32 $0x100, s0  }
0x35: {  	[tilespmem:s0+$0xFFFFFF80] =	vst v0;
	p1 =	slt.u32 s2, $0x1870  }
0x36: {  	[tilespmem:s0+$0x70] =	vst v0  }
0x37: {  	[tilespmem:s0+$0x60] =	vst v0  }
0x38: {  	[tilespmem:s0+$0x50] =	vst v0  }
0x39: {  	[tilespmem:s0+$0x40] =	vst v0  }
0x3a: {  	[tilespmem:s0+$0x30] =	vst v0  }
0x3b: {  	[tilespmem:s0+$0x20] =	vst v0  }
0x3c: {  	[tilespmem:s0+$0x10] =	vst v0  }
0x3d: {  	[tilespmem:s0+$0x0] =	vst v0  }
0x3e: {  	[tilespmem:s0+$0xFFFFFFF0] =	vst v0  }
.Ltmp2:
0x3f: {  	[tilespmem:s0+$0xFFFFFFE0] =	vst v0;
	(pc) =	sbr.rel @p1 .LBB2_2-.Ltmp2, $4  }
0x40: {  	[tilespmem:s0+$0xFFFFFFD0] =	vst v0  }
0x41: {  	[tilespmem:s0+$0xFFFFFFC0] =	vst v0  }
0x42: {  	[tilespmem:s0+$0xFFFFFFB0] =	vst v0  }
0x43: {  	[tilespmem:s0+$0xFFFFFFA0] =	vst v0  }
0x44: {  	[tilespmem:s0+$0xFFFFFF90] =	vst v0;
	s31 =	simm.s32 $0x0  }
0x45: {  	[smem:$0x7F2] =	sst s31  }
.LBB2_4:
0x46: {  	s0 =	simm.s32 $0x1  }
0x47: {  	_ =	swait.ge [sflag:s0], $0x1900  }
0x48: {  	[sflag:s0] =	ssyncset.done $0x0  }
0x49: {  	s1 =	simm.s32 $0x2;
	s28 =	simm.s32 $0x130;
	[sflag:s0] =	ssyncadd.s32 $0xFFFFE700  }
0x4a: {  	s17 =	simm.s32 $0x260;
	s5 =	simm.s32 $0x0;
	_ =	swait.ge [sflag:s1], $0x1900  }
0x4b: {  	s2 =	sand.u32 $0x70, s28;
	s0 =	sand.u32 $0x3F00, s17;
	[sflag:s1] =	ssyncset.done $0x0  }
0x4c: {  	s18 =	simm.s32 $0x0;
	s0 =	sor.u32 s2, s0;
	[sflag:s1] =	ssyncadd.s32 $0xFFFFE700  }
0x4d: {  	s5 =	sand.u32 $0x40, s5;
	s6 =	sand.u32 $0x1F00, s18;
	v1 =	vld [tilespmem:s0+$0x0]  }
0x4e: {  	s7 =	simm.s32 $0x40;
	s8 =	simm.s32 $0x80;
	s31 =	sor.u32 s5, s6;
	v2 =	vld [tilespmem:s0+$0x1980]  }
0x4f: {  	s19 =	simm.s32 $0x50;
	s20 =	simm.s32 $0xA0;
	s11 =	simm.s32 $0x60;
	v3 =	vld [tilespmem:s31+$0x0]  }
0x50: {  	s12 =	simm.s32 $0xC0;
	s7 =	sand.u32 $0x40, s7;
	s8 =	sand.u32 $0x3F00, s8;
	v5 =	vld [tilespmem:s31+$0x20]  }
0x51: {  	s7 =	sor.u32 s7, s8;
	s5 =	sand.u32 $0x50, s19;
	s6 =	sand.u32 $0x3F00, s20;
	v4 =	vld [tilespmem:s31+$0x30]  }
0x52: {  	s11 =	sand.u32 $0x60, s11;
	s12 =	sand.u32 $0x3F00, s12;
	s5 =	sor.u32 s5, s6;
	v6 =	vld [tilespmem:s7+$0x0]  }
0x53: {  	s11 =	sor.u32 s11, s12;
	v7 =	vld [tilespmem:s5+$0x0]  }
0x54: {  	v8 =	vld [tilespmem:s11+$0x0]  }
0x55: {  	p1 =	por $0x0, $0x0;
	p2 =	por $0x1, $0x1;
	s13 =	simm.s32 $0xC0;
	v10 =	vld [tilespmem:s31+$0x100]  }
0x56: {  	s22 =	simm.s32 $0x70;
	s24 =	simm.s32 $0xE0;
	s4 =	simm.s32 $0xA0;
	v30 =	vld [tilespmem:s5+$0x1980]  }
0x57: {  	s9 =	simm.s32 $0x140;
	s18 =	simm.s32 $0x1C0;
	s17 =	simm.s32 $0xE0;
	v32 =	vld [tilespmem:s11+$0x1980]  }
0x58: {  	s20 =	sand.u32 $0x3F00, s18;
	s2 =	simm.s32 $0x1;
	s19 =	sand.u32 $0x60, s17;
	v18 =	vld [tilespmem:s31+$0x200]  }
0x59: {  	s6 =	sand.u32 $0x3F00, s24;
	s2 =	simm.s32 @!p2 $0x0;
	s5 =	sor.u32 s19, s20;
	v33 =	vld [tilespmem:s31+$0x1A80]  }
0x5a: {  	s2 =	sshll.u32 s2, $0x6;
	s0 =	simm.s32 $0x1;
	s7 =	sand.u32 $0x70, s22;
	v12 =	vld [tilespmem:s5+$0x0]  }
0x5b: {  	s2 =	sadd.s32 $0x0, s2;
	s0 =	simm.s32 @!p1 $0x0;
	s6 =	sor.u32 s7, s6;
	v25 =	vld [tilespmem:s5+$0x1980]  }
0x5c: {  	s1 =	sadd.s32 $0x80, s2;
	s2 =	sadd.s32 $0x180, s2;
	s0 =	sshll.u32 s0, $0x6;
	v9 =	vld [tilespmem:s6+$0x0]  }
0x5d: {  	s7 =	sand.u32 $0x60, s4;
	s12 =	sor.u32 $0x80, s1;
	v31 =	vld [tilespmem:s6+$0x1980];
	s0 =	sadd.s32 $0x0, s0  }
0x5e: {  	s2 =	sor.u32 $0x80, s2;
	v22 =	vld [tilespmem:s12+$0x1900];
	s12 =	sand.u32 $0x3F00, s9;
	s23 =	sadd.s32 $0x10, s0  }
0x5f: {  	v20 =	vld [tilespmem:s2+$0x1900];
	s25 =	sadd.s32 $0x20, s0;
	s26 =	sadd.s32 $0x30, s0;
	s0 =	sor.u32 $0x80, s0  }
0x60: {  	s21 =	simm.s32 $0x180;
	s14 =	simm.s32 $0x160;
	s7 =	sor.u32 s7, s12;
	v34 =	vld [tilespmem:s0+$0x1900]  }
0x61: {  	s15 =	simm.s32 $0xD0;
	s13 =	sand.u32 $0x40, s13;
	s8 =	sand.u32 $0x3F00, s21;
	v16 =	vld [tilespmem:s7+$0x0]  }
0x62: {  	s16 =	simm.s32 $0x1A0;
	s8 =	sor.u32 s13, s8;
	s13 =	sor.u32 $0x80, s23;
	v27 =	vld [tilespmem:s7+$0x1980]  }
0x63: {  	s2 =	sand.u32 $0x50, s15;
	s0 =	sand.u32 $0x3F00, s16;
	v23 =	vld [tilespmem:s13+$0x1900];
	s13 =	sor.u32 $0x80, s26  }
0x64: {  	s12 =	sand.u32 $0x3F00, s14;
	s14 =	sor.u32 s2, s0;
	v21 =	vld [tilespmem:s13+$0x1900]  }
0x65: {  	v13 =	vld [tilespmem:s14+$0x0]  }
0x66: {  	v29 =	vld [tilespmem:s14+$0x1980]  }
0x67: {  	s29 =	simm.s32 $0x90;
	s21 =	simm.s32 $0xF0;
	s22 =	simm.s32 $0x1E0;
	[tilespmem:v1+s10+$0x0] =	vst.idx.add.f32.msk $0xffff, v2  }
0x68: {  	s3 =	simm.s32 $0x120;
	s0 =	sand.u32 $0x70, s21;
	s2 =	sand.u32 $0x3F00, s22;
	v2 =	vld [tilespmem:s31+$0x10]  }
0x69: {  	s24 =	simm.s32 $0x220;
	s23 =	simm.s32 $0x110;
	s4 =	sor.u32 s0, s2;
	v1 =	vld [tilespmem:s8+$0x0]  }
0x6a: {  	s7 =	sand.u32 $0x3F00, s24;
	s6 =	sand.u32 $0x50, s23;
	s8 =	sor.u32 $0x80, s25;
	v19 =	vld [tilespmem:s4+$0x0]  }
0x6b: {  	s13 =	sand.u32 $0x3F00, s3;
	s11 =	sor.u32 s6, s7;
	v24 =	vld [tilespmem:s8+$0x1900];
	s8 =	sand.u32 $0x50, s29  }
0x6c: {  	s26 =	simm.s32 $0x240;
	s25 =	simm.s32 $0x120;
	v15 =	vld [tilespmem:s11+$0x0];
	s8 =	sor.u32 s8, s13  }
0x6d: {  	s10 =	simm.s32 $0xB0;
	s2 =	sand.u32 $0x60, s25;
	s29 =	sand.u32 $0x3F00, s26;
	v11 =	vld [tilespmem:s8+$0x0]  }
0x6e: {  	s13 =	sand.u32 $0x70, s10;
	s2 =	sor.u32 s2, s29;
	v26 =	vld [tilespmem:s8+$0x1980]  }
0x6f: {  	s12 =	sor.u32 s13, s12;
	v14 =	vld [tilespmem:s2+$0x0]  }
0x70: {  	s30 =	simm.s32 $0x0;
	v17 =	vld [tilespmem:s12+$0x0]  }
0x71: {  	p2 =	por !p2, !p2;
	p1 =	por !p1, !p1;
	s0 =	simm.s32 $0x0;
	v28 =	vld [tilespmem:s12+$0x1980]  }
.LBB2_5:
0x72: {  	s5 =	simm.s32 $0x1;
	s6 =	simm.s32 $0x1;
	v35 =	vld [tilespmem:s4+$0x1980];
	s30 =	sadd.s32 $0x280, s30  }
0x73: {  	v36 =	vld [tilespmem:s31+$0x1B80];
	s28 =	sadd.s32 $0x140, s28;
	s24 =	simm.s32 $0x6400;
	s5 =	simm.s32 @!p1 $0x0  }
0x74: {  	v37 =	vld [tilespmem:s11+$0x1980];
	s6 =	simm.s32 @!p2 $0x0;
	s3 =	sadd.s32 $0x260, s30;
	s7 =	sand.u32 $0x70, s28  }
0x75: {  	v38 =	vld [tilespmem:s2+$0x1980];
	s12 =	sshll.u32 s5, $0x6;
	s5 =	sshll.u32 s6, $0x6;
	s6 =	sand.u32 $0x3F00, s3  }
0x76: {  	s6 =	sor.u32 s7, s6;
	[tilespmem:v3+s24+$0x0] =	vst.idx.add.f32.msk $0xffff, v34  }
0x77: {  	v3 =	vld [tilespmem:s6+$0x0]  }
0x78: {  	[tilespmem:v2+s24+$0x0] =	vst.idx.add.f32.msk $0xffff, v23  }
0x79: {  	[tilespmem:v5+s24+$0x0] =	vst.idx.add.f32.msk $0xffff, v24  }
0x7a: {  	v2 =	vld [tilespmem:s6+$0x1980]  }
0x7b: {  	[tilespmem:v4+s24+$0x0] =	vst.idx.add.f32.msk $0xffff, v21  }
0x7c: {  	s0 =	sadd.s32 $0x14, s0;
	[tilespmem:v6+s24+$0x0] =	vst.idx.add.f32.msk $0xffff, v22  }
0x7d: {  	[dreg:$0x4] =	wrdreg s0;
	[tilespmem:v7+s24+$0x0] =	vst.idx.add.f32.msk $0xffff, v30  }
0x7e: {  	p3 =	slt.u32 s0, $0xB4;
	s1 =	sadd.s32 $0xFFFFFED0, s28;
	s4 =	sadd.s32 $0xFFFFFF10, s28;
	[tilespmem:v8+s24+$0x0] =	vst.idx.add.f32.msk $0xffff, v32  }
0x7f: {  	s11 =	sadd.s32 $0xFFFFFF20, s28;
	s14 =	sadd.s32 $0xFFFFFF30, s28;
	s23 =	sadd.s32 $0xFFFFFF40, s28;
	[tilespmem:v9+s24+$0x0] =	vst.idx.add.f32.msk $0xffff, v31  }
0x80: {  	s17 =	sadd.s32 $0xE0, s30;
	s31 =	sadd.s32 $0xFFFFFF60, s28;
	s16 =	sadd.s32 $0xFFFFFF70, s28;
	[tilespmem:v10+s24+$0x0] =	vst.idx.add.f32.msk $0xffff, v33  }
0x81: {  	s8 =	sadd.s32 $0xFFFFFF80, s28;
	s9 =	sadd.s32 $0x180, s30;
	s10 =	sadd.s32 $0xFFFFFFA0, s28;
	[tilespmem:v11+s24+$0x0] =	vst.idx.add.f32.msk $0xffff, v26  }
0x82: {  	s18 =	sadd.s32 $0xFFFFFFB0, s28;
	s19 =	sadd.s32 $0x1C0, s30;
	s21 =	sadd.s32 $0xFFFFFFC0, s28;
	[tilespmem:v16+s24+$0x0] =	vst.idx.add.f32.msk $0xffff, v27  }
0x83: {  	s22 =	sadd.s32 $0x1E0, s30;
	s2 =	sadd.s32 $0xFFFFFFF0, s28;
	s0 =	sadd.s32 $0x240, s30;
	[tilespmem:v17+s24+$0x0] =	vst.idx.add.f32.msk $0xffff, v28  }
0x84: {  	[dreg:$0x1e] =	wrdreg s4;
	s3 =	sadd.s32 $0xFFFFFF90, s28;
	s4 =	sadd.s32 $0x1A0, s30;
	[tilespmem:v1+s24+$0x0] =	vst.idx.add.f32.msk $0xffff, v20  }
0x85: {  	s1 =	sand.u32 $0x40, s1;
	s11 =	sand.u32 $0x50, s11;
	s14 =	sand.u32 $0x60, s14;
	[tilespmem:v13+s24+$0x0] =	vst.idx.add.f32.msk $0xffff, v29  }
0x86: {  	s9 =	sand.u32 $0x3F00, s9;
	s10 =	sand.u32 $0x50, s10;
	s18 =	sand.u32 $0x60, s18;
	[tilespmem:v12+s24+$0x0] =	vst.idx.add.f32.msk $0xffff, v25  }
0x87: {  	s19 =	sand.u32 $0x3F00, s19;
	s21 =	sand.u32 $0x70, s21;
	[dreg:$0x7] =	wrdreg s1;
	[tilespmem:v19+s24+$0x0] =	vst.idx.add.f32.msk $0xffff, v35  }
0x88: {  	s22 =	sand.u32 $0x3F00, s22;
	s7 =	sadd.s32 $0x80, s30;
	s1 =	rddreg [dreg:$0x1e];
	[tilespmem:v18+s24+$0x0] =	vst.idx.add.f32.msk $0xffff, v36  }
0x89: {  	s5 =	sadd.s32 s5, s30;
	[dreg:$0x13] =	wrdreg s11;
	s11 =	sand.u32 $0x60, s16;
	[tilespmem:v15+s24+$0x0] =	vst.idx.add.f32.msk $0xffff, v37  }
0x8a: {  	s4 =	sand.u32 $0x3F00, s4;
	s19 =	sor.u32 s18, s19;
	s1 =	sand.u32 $0x40, s1;
	[tilespmem:v14+s24+$0x0] =	vst.idx.add.f32.msk $0xffff, v38  }
0x8b: {  	[smem:$0x7F1] =	sst s11;
	s11 =	sand.u32 $0x70, s8;
	s8 =	sand.u32 $0x40, s3;
	v12 =	vld [tilespmem:s19+$0x0]  }
0x8c: {  	s7 =	sand.u32 $0x3F00, s7;
	s3 =	sand.u32 $0x60, s2;
	s9 =	sor.u32 s8, s9;
	v25 =	vld [tilespmem:s19+$0x1980]  }
0x8d: {  	s2 =	sand.u32 $0x3F00, s0;
	[dreg:$0x8] =	wrdreg s1;
	s8 =	sor.u32 s10, s4;
	v1 =	vld [tilespmem:s9+$0x0]  }
0x8e: {  	s0 =	sand.u32 $0x1F00, s30;
	[dreg:$0xd] =	wrdreg s7;
	s4 =	sor.u32 s21, s22;
	v13 =	vld [tilespmem:s8+$0x0]  }
0x8f: {  	s7 =	sand.u32 $0x70, s23;
	s23 =	sand.u32 $0x3F00, s17;
	s2 =	sor.u32 s3, s2;
	v19 =	vld [tilespmem:s4+$0x0]  }
0x90: {  	s17 =	sadd.s32 $0x80, s5;
	s1 =	sadd.s32 $0x180, s5;
	s5 =	rddreg [dreg:$0x7];
	v14 =	vld [tilespmem:s2+$0x0]  }
0x91: {  	[dreg:$0xe] =	wrdreg s14;
	s14 =	sand.u32 $0x50, s31;
	s31 =	sor.u32 s5, s0;
	v29 =	vld [tilespmem:s8+$0x1980]  }
0x92: {  	s6 =	sadd.s32 $0x160, s30;
	v5 =	vld [tilespmem:s31+$0x20]  }
0x93: {  	s29 =	sadd.s32 $0xC0, s30;
	s6 =	sand.u32 $0x3F00, s6;
	v4 =	vld [tilespmem:s31+$0x30]  }
0x94: {  	s26 =	sadd.s32 $0xFFFFFFE0, s28;
	s20 =	sadd.s32 $0x220, s30;
	s6 =	sor.u32 s11, s6;
	v10 =	vld [tilespmem:s31+$0x100]  }
0x95: {  	s26 =	sand.u32 $0x50, s26;
	s20 =	sand.u32 $0x3F00, s20;
	s12 =	sadd.s32 s12, s30;
	v17 =	vld [tilespmem:s6+$0x0]  }
0x96: {  	s29 =	sand.u32 $0x3F00, s29;
	s16 =	sadd.s32 $0x20, s12;
	s11 =	sor.u32 s26, s20;
	v18 =	vld [tilespmem:s31+$0x200]  }
0x97: {  	s15 =	sadd.s32 $0x120, s30;
	[dreg:$0x16] =	wrdreg s29;
	s26 =	sor.u32 $0x80, s16;
	v15 =	vld [tilespmem:s11+$0x0]  }
0x98: {  	s29 =	sadd.s32 $0x10, s12;
	[dreg:$0x17] =	wrdreg s7;
	s1 =	sor.u32 $0x80, s1;
	v24 =	vld [tilespmem:s26+$0x1900]  }
0x99: {  	s7 =	sand.u32 $0x3F00, s15;
	s15 =	sadd.s32 $0x30, s12;
	s12 =	sor.u32 $0x80, s12;
	v20 =	vld [tilespmem:s1+$0x1900]  }
0x9a: {  	s0 =	rddreg [dreg:$0x8];
	v34 =	vld [tilespmem:s12+$0x1900]  }
0x9b: {  	s5 =	rddreg [dreg:$0xd];
	v33 =	vld [tilespmem:s31+$0x1A80]  }
0x9c: {  	s13 =	sadd.s32 $0xA0, s30;
	s0 =	sor.u32 s0, s5;
	v28 =	vld [tilespmem:s6+$0x1980]  }
0x9d: {  	s13 =	sand.u32 $0x3F00, s13;
	s5 =	rddreg [dreg:$0x13];
	s15 =	sor.u32 $0x80, s15;
	v6 =	vld [tilespmem:s0+$0x0]  }
0x9e: {  	s13 =	sor.u32 s5, s13;
	v21 =	vld [tilespmem:s15+$0x1900]  }
0x9f: {  	v7 =	vld [tilespmem:s13+$0x0]  }
0xa0: {  	v30 =	vld [tilespmem:s13+$0x1980]  }
0xa1: {  	s5 =	rddreg [dreg:$0xe];
	[tilespmem:v3+s24+$0x0] =	vst.idx.add.f32.msk $0xffff, v2  }
0xa2: {  	v3 =	vld [tilespmem:s31+$0x0];
	s24 =	rddreg [dreg:$0x16]  }
0xa3: {  	v2 =	vld [tilespmem:s31+$0x10];
	s24 =	sor.u32 s5, s24  }
0xa4: {  	s5 =	rddreg [dreg:$0x17];
	v8 =	vld [tilespmem:s24+$0x0]  }
0xa5: {  	s23 =	sor.u32 s5, s23;
	v32 =	vld [tilespmem:s24+$0x1980]  }
0xa6: {  	s5 =	sor.u32 s14, s7;
	s14 =	sld [smem:$0x7F1];
	v9 =	vld [tilespmem:s23+$0x0]  }
0xa7: {  	s25 =	sadd.s32 $0x140, s30;
	v11 =	vld [tilespmem:s5+$0x0]  }
0xa8: {  	s25 =	sand.u32 $0x3F00, s25;
	v31 =	vld [tilespmem:s23+$0x1980]  }
.Ltmp3:
0xa9: {  	v26 =	vld [tilespmem:s5+$0x1980];
	s7 =	sor.u32 s14, s25;
	(pc) =	sbr.rel @p3 .LBB2_5-.Ltmp3, $4  }
0xaa: {  	s25 =	sor.u32 $0x80, s29;
	v16 =	vld [tilespmem:s7+$0x0]  }
0xab: {  	s29 =	sor.u32 $0x80, s17;
	v23 =	vld [tilespmem:s25+$0x1900]  }
0xac: {  	v22 =	vld [tilespmem:s29+$0x1900]  }
0xad: {  	p1 =	por !p1, !p1;
	p2 =	por !p2, !p2;
	s0 =	rddreg [dreg:$0x4];
	v27 =	vld [tilespmem:s7+$0x1980]  }
0xae: {  	_ =	sdelay $0x2  }
0xaf: {  	s5 =	simm.s32 $0x6400  }
0xb0: {  	[tilespmem:v3+s5+$0x0] =	vst.idx.add.f32.msk $0xffff, v34  }
0xb1: {  	[tilespmem:v5+s5+$0x0] =	vst.idx.add.f32.msk $0xffff, v24  }
0xb2: {  	[tilespmem:v4+s5+$0x0] =	vst.idx.add.f32.msk $0xffff, v21  }
0xb3: {  	[tilespmem:v7+s5+$0x0] =	vst.idx.add.f32.msk $0xffff, v30  }
0xb4: {  	[tilespmem:v8+s5+$0x0] =	vst.idx.add.f32.msk $0xffff, v32  }
0xb5: {  	[tilespmem:v9+s5+$0x0] =	vst.idx.add.f32.msk $0xffff, v31  }
0xb6: {  	[tilespmem:v10+s5+$0x0] =	vst.idx.add.f32.msk $0xffff, v33  }
0xb7: {  	[tilespmem:v11+s5+$0x0] =	vst.idx.add.f32.msk $0xffff, v26  }
0xb8: {  	[tilespmem:v17+s5+$0x0] =	vst.idx.add.f32.msk $0xffff, v28  }
0xb9: {  	[tilespmem:v1+s5+$0x0] =	vst.idx.add.f32.msk $0xffff, v20  }
0xba: {  	[tilespmem:v2+s5+$0x0] =	vst.idx.add.f32.msk $0xffff, v23  }
0xbb: {  	[tilespmem:v6+s5+$0x0] =	vst.idx.add.f32.msk $0xffff, v22  }
0xbc: {  	[tilespmem:v16+s5+$0x0] =	vst.idx.add.f32.msk $0xffff, v27  }
0xbd: {  	v35 =	vld [tilespmem:s4+$0x1980];
	s0 =	sld [smem:$0x7F2]  }
0xbe: {  	v36 =	vld [tilespmem:s31+$0x1B80]  }
0xbf: {  	v37 =	vld [tilespmem:s11+$0x1980]  }
0xc0: {  	[tilespmem:v13+s5+$0x0] =	vst.idx.add.f32.msk $0xffff, v29;
	s0 =	sshll.u32 s0, $0x1  }
0xc1: {  	v38 =	vld [tilespmem:s2+$0x1980];
	[smem:$0x7F0] =	sst s0  }
0xc2: {  	[tilespmem:v12+s5+$0x0] =	vst.idx.add.f32.msk $0xffff, v25  }
0xc3: {  	[tilespmem:v19+s5+$0x0] =	vst.idx.add.f32.msk $0xffff, v35  }
0xc4: {  	s1 =	sld [smem:$0x7F8]  }
0xc5: {  	s0 =	smin.u32 s0, $0x3B  }
0xc6: {  	s0 =	sshll.u32 s0, $0x5  }
0xc7: {  	s0 =	sadd.s32 s1, s0  }
0xc8: {  	[tilespmem:v18+s5+$0x0] =	vst.idx.add.f32.msk $0xffff, v36;
	s0 =	smul.u32 $0x320, s0  }
0xc9: {  	s11 =	rddreg [dreg:$0x0];
	[tilespmem:v15+s5+$0x0] =	vst.idx.add.f32.msk $0xffff, v37  }
0xca: {  	s29 =	simm.s32 $0x0;
	s12 =	rddreg [dreg:$0x1];
	[tilespmem:v14+s5+$0x0] =	vst.idx.add.f32.msk $0xffff, v38;
	s1 =	sadd.s32 s11, s0  }
0xcb: {  	[tilespmem:s29], [sflag:$0x1] =	stream.linear.gather [hbm4b:s1+s29], $0x1900, $0x38;
	[tilespmem:$0x1EC00] =	vst v63  }
0xcc: {  	s13 =	simm.s32 $0x1900;
	s14 =	simm.s32 $0x3;
	s0 =	sadd.s32 s12, s0  }
0xcd: {  	[tilespmem:s13], [sflag:$0x2] =	stream.linear.gather [hbm4b:s0+s29], $0x1900, $0x38;
	[tilespmem:$0x1EC00] =	vst v63  }
0xce: {  	_ =	swait.ge [sflag:s14], $0x1900  }
0xcf: {  	[sflag:s14] =	ssyncset.done $0x0  }
0xd0: {  	s15 =	simm.s32 $0x4;
	[sflag:s14] =	ssyncadd.s32 $0xFFFFE700  }
0xd1: {  	s30 =	simm.s32 $0x130;
	s16 =	simm.s32 $0x260;
	_ =	swait.ge [sflag:s15], $0x1900  }
0xd2: {  	s17 =	sand.u32 $0x70, s30;
	s0 =	sand.u32 $0x3F00, s16;
	[sflag:s15] =	ssyncset.done $0x0  }
0xd3: {  	s18 =	simm.s32 $0x0;
	s0 =	sor.u32 s17, s0;
	[sflag:s15] =	ssyncadd.s32 $0xFFFFE700  }
0xd4: {  	s2 =	sand.u32 $0x40, s18;
	s3 =	sand.u32 $0x1F00, s29;
	v1 =	vld [tilespmem:s0+$0x3200]  }
0xd5: {  	p2 =	por $0x1, $0x1;
	s2 =	sor.u32 s2, s3;
	s1 =	simm.s32 $0x1;
	v2 =	vld [tilespmem:s0+$0x4B80]  }
0xd6: {  	s19 =	simm.s32 $0x40;
	s20 =	simm.s32 $0x80;
	s1 =	simm.s32 @!p2 $0x0;
	v3 =	vld [tilespmem:s2+$0x3200]  }
0xd7: {  	s4 =	sand.u32 $0x40, s19;
	s3 =	sand.u32 $0x3F00, s20;
	s1 =	sshll.u32 s1, $0x6;
	v5 =	vld [tilespmem:s2+$0x3220]  }
0xd8: {  	s3 =	sor.u32 s4, s3;
	s1 =	sadd.s32 $0x0, s1;
	v4 =	vld [tilespmem:s2+$0x3230]  }
0xd9: {  	s11 =	sadd.s32 $0x80, s1;
	s1 =	sadd.s32 $0x180, s1;
	v6 =	vld [tilespmem:s3+$0x3200]  }
0xda: {  	s7 =	simm.s32 $0x60;
	s23 =	simm.s32 $0xC0;
	s1 =	sor.u32 $0x80, s1;
	v10 =	vld [tilespmem:s2+$0x3300]  }
0xdb: {  	p1 =	por $0x0, $0x0;
	s7 =	sand.u32 $0x60, s7;
	s3 =	sand.u32 $0x3F00, s23;
	v15 =	vld [tilespmem:s1+$0x4B00]  }
0xdc: {  	s8 =	simm.s32 $0xC0;
	s0 =	simm.s32 $0x1;
	v19 =	vld [tilespmem:s2+$0x3400];
	s3 =	sor.u32 s7, s3  }
0xdd: {  	s18 =	simm.s32 $0xE0;
	s19 =	simm.s32 $0x1C0;
	s0 =	simm.s32 @!p1 $0x0;
	v8 =	vld [tilespmem:s3+$0x3200]  }
0xde: {  	s20 =	sand.u32 $0x60, s18;
	s0 =	sshll.u32 s0, $0x6;
	v31 =	vld [tilespmem:s3+$0x4B80];
	s3 =	sand.u32 $0x3F00, s19  }
0xdf: {  	s22 =	simm.s32 $0x180;
	v33 =	vld [tilespmem:s2+$0x4C80];
	s0 =	sadd.s32 $0x0, s0;
	s3 =	sor.u32 s20, s3  }
0xe0: {  	s8 =	sand.u32 $0x40, s8;
	s4 =	sand.u32 $0x3F00, s22;
	s24 =	sadd.s32 $0x10, s0;
	v12 =	vld [tilespmem:s3+$0x3200]  }
0xe1: {  	s26 =	sadd.s32 $0x20, s0;
	s31 =	sadd.s32 $0x30, s0;
	s0 =	sor.u32 $0x80, s0;
	v29 =	vld [tilespmem:s3+$0x4B80]  }
0xe2: {  	s4 =	sor.u32 s8, s4;
	s8 =	sor.u32 $0x80, s26;
	v34 =	vld [tilespmem:s0+$0x4B00]  }
0xe3: {  	s7 =	sor.u32 $0x80, s31;
	v23 =	vld [tilespmem:s8+$0x4B00]  }
0xe4: {  	v21 =	vld [tilespmem:s7+$0x4B00];
	s8 =	sor.u32 $0x80, s11  }
0xe5: {  	v24 =	vld [tilespmem:s8+$0x4B00]  }
0xe6: {  	s21 =	simm.s32 $0x50;
	s6 =	simm.s32 $0xA0;
	[tilespmem:v1+s5+$0x0] =	vst.idx.add.f32.msk $0xffff, v2  }
0xe7: {  	s6 =	sand.u32 $0x3F00, s6;
	v2 =	vld [tilespmem:s2+$0x3210];
	s5 =	sand.u32 $0x50, s21  }
0xe8: {  	s25 =	simm.s32 $0x70;
	v1 =	vld [tilespmem:s4+$0x3200];
	s5 =	sor.u32 s5, s6  }
0xe9: {  	s28 =	simm.s32 $0xE0;
	s16 =	simm.s32 $0xD0;
	s6 =	sor.u32 $0x80, s24;
	v7 =	vld [tilespmem:s5+$0x3200]  }
0xea: {  	s17 =	simm.s32 $0x1A0;
	s4 =	sand.u32 $0x70, s25;
	v22 =	vld [tilespmem:s6+$0x4B00];
	s6 =	sand.u32 $0x3F00, s28  }
0xeb: {  	s0 =	sand.u32 $0x50, s16;
	v30 =	vld [tilespmem:s5+$0x4B80];
	s5 =	sand.u32 $0x3F00, s17;
	s4 =	sor.u32 s4, s6  }
0xec: {  	s0 =	sor.u32 s0, s5;
	v9 =	vld [tilespmem:s4+$0x3200]  }
0xed: {  	s9 =	simm.s32 $0x90;
	s10 =	simm.s32 $0x120;
	v13 =	vld [tilespmem:s0+$0x3200]  }
0xee: {  	s22 =	simm.s32 $0x1E0;
	s7 =	sand.u32 $0x3F00, s10;
	s6 =	sand.u32 $0x50, s9;
	v32 =	vld [tilespmem:s4+$0x4B80]  }
0xef: {  	s12 =	simm.s32 $0xA0;
	s13 =	simm.s32 $0x140;
	s6 =	sor.u32 s6, s7;
	v25 =	vld [tilespmem:s0+$0x4B80]  }
0xf0: {  	s14 =	simm.s32 $0xB0;
	s8 =	sand.u32 $0x3F00, s13;
	s7 =	sand.u32 $0x60, s12;
	v11 =	vld [tilespmem:s6+$0x3200]  }
0xf1: {  	s15 =	simm.s32 $0x160;
	s21 =	simm.s32 $0xF0;
	s7 =	sor.u32 s7, s8;
	v28 =	vld [tilespmem:s6+$0x4B80]  }
0xf2: {  	s1 =	sand.u32 $0x70, s14;
	s5 =	sand.u32 $0x3F00, s22;
	s4 =	sand.u32 $0x70, s21;
	v17 =	vld [tilespmem:s7+$0x3200]  }
0xf3: {  	s23 =	simm.s32 $0x110;
	s8 =	sand.u32 $0x3F00, s15;
	s11 =	sor.u32 s4, s5;
	v26 =	vld [tilespmem:s7+$0x4B80]  }
0xf4: {  	s26 =	simm.s32 $0x240;
	s25 =	simm.s32 $0x120;
	s1 =	sor.u32 s1, s8;
	v20 =	vld [tilespmem:s11+$0x3200]  }
0xf5: {  	s24 =	simm.s32 $0x220;
	s31 =	sand.u32 $0x60, s25;
	s0 =	sand.u32 $0x3F00, s26;
	v18 =	vld [tilespmem:s1+$0x3200]  }
0xf6: {  	s28 =	sand.u32 $0x50, s23;
	s6 =	sor.u32 s31, s0;
	v27 =	vld [tilespmem:s1+$0x4B80];
	s1 =	sand.u32 $0x3F00, s24  }
0xf7: {  	v14 =	vld [tilespmem:s6+$0x3200];
	s12 =	sor.u32 s28, s1  }
0xf8: {  	p2 =	por !p2, !p2;
	p1 =	por !p1, !p1;
	s0 =	simm.s32 $0x0;
	v16 =	vld [tilespmem:s12+$0x3200]  }
.LBB2_7:
0xf9: {  	v35 =	vld [tilespmem:s11+$0x4B80]  }
0xfa: {  	v36 =	vld [tilespmem:s2+$0x4D80]  }
0xfb: {  	v37 =	vld [tilespmem:s12+$0x4B80]  }
0xfc: {  	v38 =	vld [tilespmem:s6+$0x4B80];
	s16 =	simm.s32 $0x6400  }
0xfd: {  	[tilespmem:v3+s16+$0x0] =	vst.idx.add.f32.msk $0xffff, v34  }
0xfe: {  	[tilespmem:v2+s16+$0x0] =	vst.idx.add.f32.msk $0xffff, v22  }
0xff: {  	[tilespmem:v5+s16+$0x0] =	vst.idx.add.f32.msk $0xffff, v23  }
0x100: {  	s1 =	simm.s32 $0x1;
	s3 =	simm.s32 $0x1;
	s29 =	sadd.s32 $0x280, s29;
	[tilespmem:v4+s16+$0x0] =	vst.idx.add.f32.msk $0xffff, v21  }
0x101: {  	s0 =	sadd.s32 $0x14, s0;
	s30 =	sadd.s32 $0x140, s30;
	s1 =	simm.s32 @!p1 $0x0;
	[tilespmem:v6+s16+$0x0] =	vst.idx.add.f32.msk $0xffff, v24  }
0x102: {  	s3 =	simm.s32 @!p2 $0x0;
	[dreg:$0x5] =	wrdreg s0;
	s4 =	sand.u32 $0x70, s30;
	[tilespmem:v7+s16+$0x0] =	vst.idx.add.f32.msk $0xffff, v30  }
0x103: {  	p3 =	slt.u32 s0, $0xB4;
	s25 =	sadd.s32 $0xFFFFFED0, s30;
	s7 =	sadd.s32 $0xFFFFFF20, s30;
	[tilespmem:v8+s16+$0x0] =	vst.idx.add.f32.msk $0xffff, v31  }
0x104: {  	s8 =	sadd.s32 $0xA0, s29;
	s10 =	sadd.s32 $0xFFFFFF30, s30;
	s31 =	sadd.s32 $0xC0, s29;
	[tilespmem:v9+s16+$0x0] =	vst.idx.add.f32.msk $0xffff, v32  }
0x105: {  	s11 =	sadd.s32 $0xFFFFFF40, s30;
	s12 =	sadd.s32 $0xE0, s29;
	s13 =	sadd.s32 $0xFFFFFF60, s30;
	[tilespmem:v10+s16+$0x0] =	vst.idx.add.f32.msk $0xffff, v33  }
0x106: {  	s14 =	sadd.s32 $0x120, s29;
	s9 =	sadd.s32 $0xFFFFFF70, s30;
	s15 =	sadd.s32 $0x140, s29;
	[tilespmem:v11+s16+$0x0] =	vst.idx.add.f32.msk $0xffff, v28  }
0x107: {  	s18 =	sadd.s32 $0xFFFFFF90, s30;
	s19 =	sadd.s32 $0x180, s29;
	s20 =	sadd.s32 $0xFFFFFFA0, s30;
	[tilespmem:v17+s16+$0x0] =	vst.idx.add.f32.msk $0xffff, v26  }
0x108: {  	s21 =	sadd.s32 $0x1A0, s29;
	s22 =	sadd.s32 $0xFFFFFFB0, s30;
	s23 =	sadd.s32 $0x1C0, s29;
	[tilespmem:v18+s16+$0x0] =	vst.idx.add.f32.msk $0xffff, v27  }
0x109: {  	s6 =	sadd.s32 $0x220, s29;
	s5 =	sshll.u32 s1, $0x6;
	s1 =	sadd.s32 $0x260, s29;
	[tilespmem:v1+s16+$0x0] =	vst.idx.add.f32.msk $0xffff, v15  }
0x10a: {  	s0 =	sadd.s32 $0x240, s29;
	s3 =	sshll.u32 s3, $0x6;
	s2 =	sand.u32 $0x3F00, s1;
	[tilespmem:v13+s16+$0x0] =	vst.idx.add.f32.msk $0xffff, v25  }
0x10b: {  	[smem:$0x7EE] =	sst s6;
	s6 =	sadd.s32 $0xFFFFFFF0, s30;
	s2 =	sor.u32 s4, s2;
	[tilespmem:v12+s16+$0x0] =	vst.idx.add.f32.msk $0xffff, v29  }
0x10c: {  	s25 =	sand.u32 $0x40, s25;
	s7 =	sand.u32 $0x50, s7;
	s8 =	sand.u32 $0x3F00, s8;
	v3 =	vld [tilespmem:s2+$0x3200]  }
0x10d: {  	s31 =	sand.u32 $0x3F00, s31;
	s13 =	sand.u32 $0x50, s13;
	s18 =	sand.u32 $0x40, s18;
	v2 =	vld [tilespmem:s2+$0x4B80]  }
0x10e: {  	s19 =	sand.u32 $0x3F00, s19;
	s20 =	sand.u32 $0x50, s20;
	s21 =	sand.u32 $0x3F00, s21;
	[tilespmem:v20+s16+$0x0] =	vst.idx.add.f32.msk $0xffff, v35  }
0x10f: {  	s22 =	sand.u32 $0x60, s22;
	s1 =	sadd.s32 $0xFFFFFF10, s30;
	s5 =	sadd.s32 s5, s29;
	[tilespmem:v19+s16+$0x0] =	vst.idx.add.f32.msk $0xffff, v36  }
0x110: {  	[dreg:$0x9] =	wrdreg s25;
	s25 =	sand.u32 $0x60, s10;
	s10 =	sand.u32 $0x3F00, s14;
	[tilespmem:v16+s16+$0x0] =	vst.idx.add.f32.msk $0xffff, v37  }
0x111: {  	s3 =	sadd.s32 s3, s29;
	[dreg:$0x14] =	wrdreg s7;
	s10 =	sor.u32 s13, s10;
	[tilespmem:v14+s16+$0x0] =	vst.idx.add.f32.msk $0xffff, v38  }
0x112: {  	[dreg:$0x18] =	wrdreg s8;
	s7 =	sand.u32 $0x3F00, s12;
	s18 =	sor.u32 s18, s19;
	v11 =	vld [tilespmem:s10+$0x3200]  }
0x113: {  	s8 =	sand.u32 $0x60, s9;
	s12 =	sand.u32 $0x3F00, s23;
	s20 =	sor.u32 s20, s21;
	v1 =	vld [tilespmem:s18+$0x3200]  }
0x114: {  	s4 =	sadd.s32 $0x80, s29;
	[dreg:$0x1f] =	wrdreg s7;
	s21 =	sor.u32 s22, s12;
	v13 =	vld [tilespmem:s20+$0x3200]  }
0x115: {  	s1 =	sand.u32 $0x40, s1;
	[smem:$0x7EF] =	sst s8;
	s8 =	sand.u32 $0x3F00, s15;
	v12 =	vld [tilespmem:s21+$0x3200]  }
0x116: {  	s15 =	sand.u32 $0x60, s6;
	s7 =	sand.u32 $0x3F00, s0;
	s14 =	rddreg [dreg:$0x9];
	v28 =	vld [tilespmem:s10+$0x4B80]  }
0x117: {  	s6 =	sadd.s32 $0x10, s5;
	s2 =	sadd.s32 $0x160, s29;
	[dreg:$0xa] =	wrdreg s1;
	v25 =	vld [tilespmem:s20+$0x4B80]  }
0x118: {  	s4 =	sand.u32 $0x3F00, s4;
	s22 =	sor.u32 $0x80, s6;
	s6 =	sor.u32 s15, s7;
	v29 =	vld [tilespmem:s21+$0x4B80]  }
0x119: {  	s1 =	sadd.s32 $0x80, s3;
	s3 =	sadd.s32 $0x180, s3;
	[dreg:$0xf] =	wrdreg s4;
	v14 =	vld [tilespmem:s6+$0x3200]  }
0x11a: {  	s4 =	sand.u32 $0x70, s11;
	s11 =	sand.u32 $0x1F00, s29;
	s3 =	sor.u32 $0x80, s3;
	v22 =	vld [tilespmem:s22+$0x4B00]  }
0x11b: {  	[dreg:$0x19] =	wrdreg s31;
	s31 =	sand.u32 $0x3F00, s2;
	s2 =	sor.u32 s14, s11;
	v15 =	vld [tilespmem:s3+$0x4B00]  }
0x11c: {  	s17 =	sadd.s32 $0xFFFFFF80, s30;
	s9 =	sld [smem:$0x7EE];
	v5 =	vld [tilespmem:s2+$0x3220]  }
0x11d: {  	s17 =	sand.u32 $0x70, s17;
	v4 =	vld [tilespmem:s2+$0x3230]  }
0x11e: {  	s26 =	sadd.s32 $0xFFFFFFE0, s30;
	s31 =	sor.u32 s17, s31;
	v10 =	vld [tilespmem:s2+$0x3300]  }
0x11f: {  	s26 =	sand.u32 $0x50, s26;
	s9 =	sand.u32 $0x3F00, s9;
	v18 =	vld [tilespmem:s31+$0x3200]  }
0x120: {  	[dreg:$0x10] =	wrdreg s25;
	s12 =	sor.u32 s26, s9;
	v19 =	vld [tilespmem:s2+$0x3400]  }
0x121: {  	s24 =	sadd.s32 $0xFFFFFFC0, s30;
	s13 =	sld [smem:$0x7EF];
	s26 =	sor.u32 $0x80, s1;
	v16 =	vld [tilespmem:s12+$0x3200]  }
0x122: {  	s25 =	sand.u32 $0x70, s24;
	s24 =	rddreg [dreg:$0xa];
	v24 =	vld [tilespmem:s26+$0x4B00]  }
0x123: {  	s11 =	rddreg [dreg:$0xf];
	v33 =	vld [tilespmem:s2+$0x4C80]  }
0x124: {  	s0 =	sor.u32 s24, s11;
	v27 =	vld [tilespmem:s31+$0x4B80]  }
0x125: {  	[dreg:$0x1a] =	wrdreg s4;
	s4 =	sadd.s32 $0x20, s5;
	s8 =	sor.u32 s13, s8;
	v6 =	vld [tilespmem:s0+$0x3200]  }
0x126: {  	s24 =	rddreg [dreg:$0x14];
	s4 =	sor.u32 $0x80, s4;
	v17 =	vld [tilespmem:s8+$0x3200]  }
0x127: {  	s11 =	rddreg [dreg:$0x18];
	v23 =	vld [tilespmem:s4+$0x4B00]  }
0x128: {  	s14 =	sor.u32 s24, s11;
	v26 =	vld [tilespmem:s8+$0x4B80]  }
0x129: {  	v7 =	vld [tilespmem:s14+$0x3200]  }
0x12a: {  	v30 =	vld [tilespmem:s14+$0x4B80]  }
0x12b: {  	s24 =	rddreg [dreg:$0x10];
	[tilespmem:v3+s16+$0x0] =	vst.idx.add.f32.msk $0xffff, v2  }
0x12c: {  	s11 =	rddreg [dreg:$0x19];
	v3 =	vld [tilespmem:s2+$0x3200]  }
0x12d: {  	s16 =	sor.u32 s24, s11;
	s24 =	rddreg [dreg:$0x1a];
	v2 =	vld [tilespmem:s2+$0x3210]  }
0x12e: {  	s28 =	sadd.s32 $0x1E0, s29;
	s11 =	rddreg [dreg:$0x1f];
	v8 =	vld [tilespmem:s16+$0x3200]  }
0x12f: {  	s28 =	sand.u32 $0x3F00, s28;
	s24 =	sor.u32 s24, s11;
	v31 =	vld [tilespmem:s16+$0x4B80]  }
.Ltmp4:
0x130: {  	s23 =	sadd.s32 $0x30, s5;
	s11 =	sor.u32 s25, s28;
	v9 =	vld [tilespmem:s24+$0x3200];
	(pc) =	sbr.rel @p3 .LBB2_7-.Ltmp4, $4  }
0x131: {  	s25 =	sor.u32 $0x80, s23;
	v20 =	vld [tilespmem:s11+$0x3200]  }
0x132: {  	s28 =	sor.u32 $0x80, s5;
	v21 =	vld [tilespmem:s25+$0x4B00]  }
0x133: {  	v34 =	vld [tilespmem:s28+$0x4B00]  }
0x134: {  	p1 =	por !p1, !p1;
	p2 =	por !p2, !p2;
	s0 =	rddreg [dreg:$0x5];
	v32 =	vld [tilespmem:s24+$0x4B80]  }
0x135: {  	_ = 	snop  }
0x136: {  	v35 =	vld [tilespmem:s11+$0x4B80]  }
0x137: {  	v36 =	vld [tilespmem:s2+$0x4D80]  }
0x138: {  	v37 =	vld [tilespmem:s12+$0x4B80];
	s25 =	simm.s32 $0x6400  }
0x139: {  	[tilespmem:v2+s25+$0x0] =	vst.idx.add.f32.msk $0xffff, v22  }
0x13a: {  	[tilespmem:v5+s25+$0x0] =	vst.idx.add.f32.msk $0xffff, v23  }
0x13b: {  	[tilespmem:v6+s25+$0x0] =	vst.idx.add.f32.msk $0xffff, v24  }
0x13c: {  	[tilespmem:v7+s25+$0x0] =	vst.idx.add.f32.msk $0xffff, v30  }
0x13d: {  	[tilespmem:v8+s25+$0x0] =	vst.idx.add.f32.msk $0xffff, v31  }
0x13e: {  	[tilespmem:v10+s25+$0x0] =	vst.idx.add.f32.msk $0xffff, v33  }
0x13f: {  	[tilespmem:v11+s25+$0x0] =	vst.idx.add.f32.msk $0xffff, v28  }
0x140: {  	[tilespmem:v17+s25+$0x0] =	vst.idx.add.f32.msk $0xffff, v26  }
0x141: {  	[tilespmem:v18+s25+$0x0] =	vst.idx.add.f32.msk $0xffff, v27  }
0x142: {  	[tilespmem:v1+s25+$0x0] =	vst.idx.add.f32.msk $0xffff, v15  }
0x143: {  	[tilespmem:v13+s25+$0x0] =	vst.idx.add.f32.msk $0xffff, v25  }
0x144: {  	[tilespmem:v4+s25+$0x0] =	vst.idx.add.f32.msk $0xffff, v21  }
0x145: {  	[tilespmem:v3+s25+$0x0] =	vst.idx.add.f32.msk $0xffff, v34  }
0x146: {  	[tilespmem:v9+s25+$0x0] =	vst.idx.add.f32.msk $0xffff, v32  }
0x147: {  	s0 =	sld [smem:$0x7F0];
	[tilespmem:v12+s25+$0x0] =	vst.idx.add.f32.msk $0xffff, v29  }
0x148: {  	[tilespmem:v20+s25+$0x0] =	vst.idx.add.f32.msk $0xffff, v35  }
0x149: {  	v38 =	vld [tilespmem:s6+$0x4B80];
	s1 =	sld [smem:$0x7F9]  }
0x14a: {  	s0 =	smin.u32 s0, $0x3A  }
0x14b: {  	s0 =	sshll.u32 s0, $0x5  }
0x14c: {  	[tilespmem:v19+s25+$0x0] =	vst.idx.add.f32.msk $0xffff, v36;
	s0 =	sadd.s32 s1, s0  }
0x14d: {  	s26 =	rddreg [dreg:$0x0];
	[tilespmem:v16+s25+$0x0] =	vst.idx.add.f32.msk $0xffff, v37;
	s0 =	smul.u32 $0x320, s0  }
0x14e: {  	s9 =	simm.s32 $0x0;
	s29 =	rddreg [dreg:$0x1];
	[tilespmem:v14+s25+$0x0] =	vst.idx.add.f32.msk $0xffff, v38  }
0x14f: {  	s28 =	simm.s32 $0x3200;
	s31 =	sld [smem:$0x7F2];
	s1 =	sadd.s32 s26, s0  }
0x150: {  	[tilespmem:s28], [sflag:$0x3] =	stream.linear.gather [hbm4b:s1+s9], $0x1900, $0x38;
	[tilespmem:$0x1EC00] =	vst v63  }
0x151: {  	s30 =	simm.s32 $0x4B00;
	s0 =	sadd.s32 s29, s0  }
0x152: {  	[tilespmem:s30], [sflag:$0x4] =	stream.linear.gather [hbm4b:s0+s9], $0x1900, $0x38;
	[tilespmem:$0x1EC00] =	vst v63  }
0x153: {  	s0 =	sadd.s32 $0x1, s31  }
0x154: {  	p1 =	sne.s32 s0, $0x1F  }
.Ltmp5:
0x155: {  	_ = 	snop;
	(pc) =	sbr.rel @p1 .LBB2_4-.Ltmp5, $2  }
0x156: {  	_ =	sdelay $0x2  }
0x157: {  	s10 =	simm.s32 $0x6400;
	[smem:$0x7F2] =	sst s0  }
0x158: {  	s0 =	simm.s32 $0x1  }
0x159: {  	_ =	swait.ge [sflag:s0], $0x1900  }
0x15a: {  	[sflag:s0] =	ssyncset.done $0x0  }
0x15b: {  	s29 =	simm.s32 $0x2;
	[sflag:s0] =	ssyncadd.s32 $0xFFFFE700  }
0x15c: {  	_ =	swait.ge [sflag:s29], $0x1900  }
0x15d: {  	[sflag:s29] =	ssyncset.done $0x0  }
0x15e: {  	s30 =	simm.s32 $0x3;
	[sflag:s29] =	ssyncadd.s32 $0xFFFFE700  }
0x15f: {  	_ =	swait.ge [sflag:s30], $0x1900  }
.Ltmp6:
0x160: {  	[sflag:s30] =	ssyncset.done $0x0;
	(pc) =	sbr.rel @p0 .LBB2_13-.Ltmp6, $4  }
0x161: {  	s31 =	simm.s32 $0x4;
	[sflag:s30] =	ssyncadd.s32 $0xFFFFE700  }
0x162: {  	_ =	swait.ge [sflag:s31], $0x1900  }
0x163: {  	[sflag:s31] =	ssyncset.done $0x0  }
0x164: {  	s2 =	sld [smem:$0x7F3];
	[sflag:s31] =	ssyncadd.s32 $0xFFFFE700  }
0x165: {  	s0 =	sld [smem:$0x7FA];
	_ =	sdelay $0x1  }
0x166: {  	s25 =	simm.s32 $0x0;
	s2 =	simm.s32 $0x5  }
0x167: {  	[tilespmem:s25], [sflag:$0x5] =	stream.linear.gather [hbm4b:s0+s25], $0x1900, $0x38;
	[tilespmem:$0x1EC00] =	vst v63  }
0x168: {  	_ =	swait.ge [sflag:s2], $0x1900  }
0x169: {  	s17 =	sld [smem:$0x7FB]  }
0x16a: {  	[sflag:s2] =	ssyncset.done $0x0  }
0x16b: {  	s1 =	simm.s32 $0x1900;
	s26 =	simm.s32 $0x130;
	[sflag:s2] =	ssyncadd.s32 $0xFFFFE700  }
0x16c: {  	[tilespmem:s1], [sflag:$0x5] =	stream.linear.gather [hbm4b:s17+s25], $0x1900, $0x38;
	[tilespmem:$0x1EC00] =	vst v63  }
0x16d: {  	s18 =	simm.s32 $0x260;
	s5 =	simm.s32 $0x50;
	_ =	swait.ge [sflag:s2], $0x1900  }
0x16e: {  	s19 =	sand.u32 $0x70, s26;
	s0 =	sand.u32 $0x3F00, s18;
	[sflag:s2] =	ssyncset.done $0x0  }
0x16f: {  	s6 =	simm.s32 $0xA0;
	s0 =	sor.u32 s19, s0;
	[sflag:s2] =	ssyncadd.s32 $0xFFFFE700  }
0x170: {  	s5 =	sand.u32 $0x50, s5;
	s6 =	sand.u32 $0x3F00, s6;
	v1 =	vld [tilespmem:s0+$0x0]  }
0x171: {  	s20 =	simm.s32 $0x0;
	s5 =	sor.u32 s5, s6;
	v2 =	vld [tilespmem:s0+$0x1980]  }
0x172: {  	s3 =	sand.u32 $0x1F00, s25;
	s2 =	sand.u32 $0x40, s20;
	v7 =	vld [tilespmem:s5+$0x0]  }
0x173: {  	s2 =	sor.u32 s2, s3;
	v30 =	vld [tilespmem:s5+$0x1980]  }
0x174: {  	p1 =	por $0x0, $0x0;
	p2 =	por $0x1, $0x1;
	s1 =	simm.s32 $0x1;
	v3 =	vld [tilespmem:s2+$0x0]  }
0x175: {  	s4 =	simm.s32 $0x40;
	s21 =	simm.s32 $0x80;
	s1 =	simm.s32 @!p2 $0x0;
	v5 =	vld [tilespmem:s2+$0x20]  }
0x176: {  	s7 =	simm.s32 $0x60;
	s23 =	simm.s32 $0xC0;
	s1 =	sshll.u32 s1, $0x6;
	v4 =	vld [tilespmem:s2+$0x30]  }
0x177: {  	s4 =	sand.u32 $0x40, s4;
	s7 =	sand.u32 $0x60, s7;
	s1 =	sadd.s32 $0x0, s1;
	v10 =	vld [tilespmem:s2+$0x100]  }
0x178: {  	s0 =	simm.s32 $0x1;
	s3 =	sand.u32 $0x3F00, s21;
	s11 =	sadd.s32 $0x80, s1;
	v20 =	vld [tilespmem:s2+$0x200]  }
0x179: {  	s1 =	sadd.s32 $0x180, s1;
	s0 =	simm.s32 @!p1 $0x0;
	s3 =	sor.u32 s4, s3;
	v33 =	vld [tilespmem:s2+$0x1A80]  }
0x17a: {  	s1 =	sor.u32 $0x80, s1;
	s0 =	sshll.u32 s0, $0x6;
	v6 =	vld [tilespmem:s3+$0x0];
	s3 =	sand.u32 $0x3F00, s23  }
0x17b: {  	s8 =	simm.s32 $0xC0;
	v14 =	vld [tilespmem:s1+$0x1900];
	s0 =	sadd.s32 $0x0, s0;
	s3 =	sor.u32 s7, s3  }
0x17c: {  	s22 =	simm.s32 $0x180;
	s8 =	sand.u32 $0x40, s8;
	s24 =	sadd.s32 $0x10, s0;
	v8 =	vld [tilespmem:s3+$0x0]  }
0x17d: {  	s29 =	sadd.s32 $0x20, s0;
	s31 =	sadd.s32 $0x30, s0;
	s0 =	sor.u32 $0x80, s0;
	v31 =	vld [tilespmem:s3+$0x1980]  }
0x17e: {  	s18 =	simm.s32 $0xE0;
	s4 =	sand.u32 $0x3F00, s22;
	s6 =	sor.u32 $0x80, s24;
	v34 =	vld [tilespmem:s0+$0x1900]  }
0x17f: {  	s19 =	simm.s32 $0x1C0;
	s4 =	sor.u32 s8, s4;
	s8 =	sor.u32 $0x80, s29;
	v22 =	vld [tilespmem:s6+$0x1900]  }
0x180: {  	s20 =	sand.u32 $0x60, s18;
	s3 =	sand.u32 $0x3F00, s19;
	s7 =	sor.u32 $0x80, s31;
	v23 =	vld [tilespmem:s8+$0x1900]  }
0x181: {  	s3 =	sor.u32 s20, s3;
	v21 =	vld [tilespmem:s7+$0x1900]  }
0x182: {  	s16 =	simm.s32 $0xD0;
	s17 =	simm.s32 $0x1A0;
	v12 =	vld [tilespmem:s3+$0x0]  }
0x183: {  	s5 =	sand.u32 $0x3F00, s17;
	s0 =	sand.u32 $0x50, s16;
	s8 =	sor.u32 $0x80, s11;
	v29 =	vld [tilespmem:s3+$0x1980]  }
0x184: {  	s0 =	sor.u32 s0, s5;
	v24 =	vld [tilespmem:s8+$0x1900]  }
0x185: {  	v13 =	vld [tilespmem:s0+$0x0]  }
0x186: {  	v25 =	vld [tilespmem:s0+$0x1980]  }
0x187: {  	s28 =	simm.s32 $0x70;
	s30 =	simm.s32 $0xE0;
	[tilespmem:v1+s10+$0x0] =	vst.idx.add.f32.msk $0xffff, v2  }
0x188: {  	s6 =	sand.u32 $0x3F00, s30;
	v1 =	vld [tilespmem:s4+$0x0];
	s4 =	sand.u32 $0x70, s28  }
0x189: {  	s9 =	simm.s32 $0x90;
	v2 =	vld [tilespmem:s2+$0x10];
	s10 =	simm.s32 $0x120;
	s4 =	sor.u32 s4, s6  }
0x18a: {  	s12 =	simm.s32 $0xA0;
	s6 =	sand.u32 $0x50, s9;
	s7 =	sand.u32 $0x3F00, s10;
	v9 =	vld [tilespmem:s4+$0x0]  }
0x18b: {  	s13 =	simm.s32 $0x140;
	s14 =	simm.s32 $0xB0;
	s6 =	sor.u32 s6, s7;
	v32 =	vld [tilespmem:s4+$0x1980]  }
0x18c: {  	s15 =	simm.s32 $0x160;
	s8 =	sand.u32 $0x3F00, s13;
	s7 =	sand.u32 $0x60, s12;
	v11 =	vld [tilespmem:s6+$0x0]  }
0x18d: {  	s21 =	simm.s32 $0xF0;
	s22 =	simm.s32 $0x1E0;
	s7 =	sor.u32 s7, s8;
	v28 =	vld [tilespmem:s6+$0x1980]  }
0x18e: {  	s1 =	sand.u32 $0x70, s14;
	s5 =	sand.u32 $0x3F00, s22;
	s4 =	sand.u32 $0x70, s21;
	v16 =	vld [tilespmem:s7+$0x0]  }
0x18f: {  	s23 =	simm.s32 $0x110;
	s8 =	sand.u32 $0x3F00, s15;
	s11 =	sor.u32 s4, s5;
	v26 =	vld [tilespmem:s7+$0x1980]  }
0x190: {  	s29 =	simm.s32 $0x240;
	s28 =	simm.s32 $0x120;
	s1 =	sor.u32 s1, s8;
	v19 =	vld [tilespmem:s11+$0x0]  }
0x191: {  	s24 =	simm.s32 $0x220;
	s0 =	sand.u32 $0x3F00, s29;
	s31 =	sand.u32 $0x60, s28;
	v17 =	vld [tilespmem:s1+$0x0]  }
0x192: {  	s30 =	sand.u32 $0x50, s23;
	s6 =	sor.u32 s31, s0;
	v27 =	vld [tilespmem:s1+$0x1980];
	s1 =	sand.u32 $0x3F00, s24  }
0x193: {  	p2 =	por !p2, !p2;
	v15 =	vld [tilespmem:s6+$0x0];
	s12 =	sor.u32 s30, s1  }
0x194: {  	p1 =	por !p1, !p1;
	s20 =	simm.s32 $0x6400;
	s0 =	simm.s32 $0x0;
	v18 =	vld [tilespmem:s12+$0x0]  }
.LBB2_11:
0x195: {  	v35 =	vld [tilespmem:s11+$0x1980]  }
0x196: {  	v36 =	vld [tilespmem:s2+$0x1B80]  }
0x197: {  	v37 =	vld [tilespmem:s12+$0x1980]  }
0x198: {  	v38 =	vld [tilespmem:s6+$0x1980]  }
0x199: {  	[tilespmem:v3+s20+$0x0] =	vst.idx.add.f32.msk $0xffff, v34  }
0x19a: {  	[tilespmem:v2+s20+$0x0] =	vst.idx.add.f32.msk $0xffff, v22  }
0x19b: {  	s1 =	simm.s32 $0x1;
	s3 =	simm.s32 $0x1;
	[tilespmem:v5+s20+$0x0] =	vst.idx.add.f32.msk $0xffff, v23  }
0x19c: {  	s25 =	sadd.s32 $0x280, s25;
	s0 =	sadd.s32 $0x14, s0;
	s26 =	sadd.s32 $0x140, s26;
	[tilespmem:v4+s20+$0x0] =	vst.idx.add.f32.msk $0xffff, v21  }
0x19d: {  	s1 =	simm.s32 @!p1 $0x0;
	s3 =	simm.s32 @!p2 $0x0;
	[dreg:$0x6] =	wrdreg s0;
	[tilespmem:v6+s20+$0x0] =	vst.idx.add.f32.msk $0xffff, v24  }
0x19e: {  	s4 =	sand.u32 $0x70, s26;
	p3 =	slt.u32 s0, $0xB4;
	s29 =	sadd.s32 $0xFFFFFED0, s26;
	[tilespmem:v7+s20+$0x0] =	vst.idx.add.f32.msk $0xffff, v30  }
0x19f: {  	s7 =	sadd.s32 $0xFFFFFF20, s26;
	s8 =	sadd.s32 $0xA0, s25;
	s10 =	sadd.s32 $0xFFFFFF30, s26;
	[tilespmem:v8+s20+$0x0] =	vst.idx.add.f32.msk $0xffff, v31  }
0x1a0: {  	s28 =	sadd.s32 $0xC0, s25;
	s12 =	sadd.s32 $0xE0, s25;
	s13 =	sadd.s32 $0xFFFFFF60, s26;
	[tilespmem:v9+s20+$0x0] =	vst.idx.add.f32.msk $0xffff, v32  }
0x1a1: {  	s14 =	sadd.s32 $0x120, s25;
	s9 =	sadd.s32 $0xFFFFFF70, s26;
	s17 =	sadd.s32 $0xFFFFFF80, s26;
	[tilespmem:v10+s20+$0x0] =	vst.idx.add.f32.msk $0xffff, v33  }
0x1a2: {  	s18 =	sadd.s32 $0xFFFFFF90, s26;
	s19 =	sadd.s32 $0x180, s25;
	s24 =	sadd.s32 $0xFFFFFFC0, s26;
	[tilespmem:v11+s20+$0x0] =	vst.idx.add.f32.msk $0xffff, v28  }
0x1a3: {  	s6 =	sadd.s32 $0x220, s25;
	s0 =	sadd.s32 $0x240, s25;
	s5 =	sshll.u32 s1, $0x6;
	[tilespmem:v16+s20+$0x0] =	vst.idx.add.f32.msk $0xffff, v26  }
0x1a4: {  	s3 =	sshll.u32 s3, $0x6;
	s1 =	sadd.s32 $0x260, s25;
	[smem:$0x7EA] =	sst s6;
	[tilespmem:v17+s20+$0x0] =	vst.idx.add.f32.msk $0xffff, v27  }
0x1a5: {  	s29 =	sand.u32 $0x40, s29;
	s12 =	sand.u32 $0x3F00, s12;
	s13 =	sand.u32 $0x50, s13;
	[tilespmem:v1+s20+$0x0] =	vst.idx.add.f32.msk $0xffff, v14  }
0x1a6: {  	s18 =	sand.u32 $0x40, s18;
	s2 =	sand.u32 $0x3F00, s1;
	[dreg:$0xb] =	wrdreg s29;
	[tilespmem:v13+s20+$0x0] =	vst.idx.add.f32.msk $0xffff, v25  }
0x1a7: {  	s19 =	sand.u32 $0x3F00, s19;
	[smem:$0x7EB] =	sst s12;
	s2 =	sor.u32 s4, s2;
	[tilespmem:v12+s20+$0x0] =	vst.idx.add.f32.msk $0xffff, v29  }
0x1a8: {  	s1 =	sadd.s32 $0xFFFFFF10, s26;
	s3 =	sadd.s32 s3, s25;
	[smem:$0x7EC] =	sst s13;
	v3 =	vld [tilespmem:s2+$0x0]  }
0x1a9: {  	s18 =	sor.u32 s18, s19;
	s1 =	sand.u32 $0x40, s1;
	s13 =	rddreg [dreg:$0xb];
	v2 =	vld [tilespmem:s2+$0x1980]  }
0x1aa: {  	s4 =	sadd.s32 $0x80, s25;
	s2 =	sadd.s32 $0x160, s25;
	[dreg:$0xc] =	wrdreg s1;
	[tilespmem:v19+s20+$0x0] =	vst.idx.add.f32.msk $0xffff, v35  }
0x1ab: {  	s29 =	sand.u32 $0x3F00, s4;
	s4 =	sand.u32 $0x50, s7;
	s7 =	sand.u32 $0x3F00, s8;
	[tilespmem:v20+s20+$0x0] =	vst.idx.add.f32.msk $0xffff, v36  }
0x1ac: {  	s8 =	sand.u32 $0x60, s10;
	s10 =	sand.u32 $0x3F00, s28;
	[tilespmem:v18+s20+$0x0] =	vst.idx.add.f32.msk $0xffff, v37;
	[dreg:$0x11] =	wrdreg s29  }
0x1ad: {  	s1 =	sadd.s32 $0x80, s3;
	s3 =	sadd.s32 $0x180, s3;
	[tilespmem:v15+s20+$0x0] =	vst.idx.add.f32.msk $0xffff, v38;
	[dreg:$0x1b] =	wrdreg s7  }
0x1ae: {  	v1 =	vld [tilespmem:s18+$0x0];
	s7 =	sand.u32 $0x3F00, s0;
	s0 =	sand.u32 $0x1F00, s25;
	s3 =	sor.u32 $0x80, s3  }
0x1af: {  	[dreg:$0x15] =	wrdreg s4;
	s28 =	sand.u32 $0x3F00, s2;
	s2 =	sor.u32 s13, s0;
	v14 =	vld [tilespmem:s3+$0x1900]  }
0x1b0: {  	s17 =	sand.u32 $0x70, s17;
	s5 =	sadd.s32 s5, s25;
	[dreg:$0x12] =	wrdreg s8;
	v5 =	vld [tilespmem:s2+$0x20]  }
0x1b1: {  	[dreg:$0x1c] =	wrdreg s10;
	s10 =	sand.u32 $0x3F00, s14;
	s14 =	sand.u32 $0x60, s9;
	v4 =	vld [tilespmem:s2+$0x30]  }
0x1b2: {  	s29 =	sand.u32 $0x70, s24;
	s24 =	sld [smem:$0x7EA];
	s28 =	sor.u32 s17, s28;
	v10 =	vld [tilespmem:s2+$0x100]  }
0x1b3: {  	s4 =	sadd.s32 $0x20, s5;
	[smem:$0x7ED] =	sst s14;
	v17 =	vld [tilespmem:s28+$0x0]  }
0x1b4: {  	s16 =	sadd.s32 $0x140, s25;
	s14 =	rddreg [dreg:$0xc];
	s4 =	sor.u32 $0x80, s4;
	v20 =	vld [tilespmem:s2+$0x200]  }
0x1b5: {  	s8 =	sand.u32 $0x3F00, s16;
	s16 =	rddreg [dreg:$0x11];
	v23 =	vld [tilespmem:s4+$0x1900]  }
0x1b6: {  	s13 =	rddreg [dreg:$0x1b];
	v33 =	vld [tilespmem:s2+$0x1A80]  }
0x1b7: {  	s0 =	sor.u32 s14, s16;
	v27 =	vld [tilespmem:s28+$0x1980];
	s9 =	sand.u32 $0x3F00, s24;
	s24 =	rddreg [dreg:$0x15]  }
0x1b8: {  	v6 =	vld [tilespmem:s0+$0x0];
	s14 =	sor.u32 s24, s13;
	s24 =	rddreg [dreg:$0x12]  }
0x1b9: {  	s11 =	sadd.s32 $0xFFFFFF40, s26;
	s13 =	rddreg [dreg:$0x1c];
	v7 =	vld [tilespmem:s14+$0x0]  }
0x1ba: {  	s11 =	sand.u32 $0x70, s11;
	s16 =	sor.u32 s24, s13;
	s13 =	sld [smem:$0x7EB];
	v30 =	vld [tilespmem:s14+$0x1980]  }
0x1bb: {  	[dreg:$0x1d] =	wrdreg s11;
	v8 =	vld [tilespmem:s16+$0x0]  }
0x1bc: {  	s24 =	rddreg [dreg:$0x1d];
	v31 =	vld [tilespmem:s16+$0x1980]  }
0x1bd: {  	[tilespmem:v3+s20+$0x0] =	vst.idx.add.f32.msk $0xffff, v2;
	s24 =	sor.u32 s24, s13;
	s13 =	sld [smem:$0x7EC]  }
0x1be: {  	v3 =	vld [tilespmem:s2+$0x0]  }
0x1bf: {  	v2 =	vld [tilespmem:s2+$0x10]  }
0x1c0: {  	v9 =	vld [tilespmem:s24+$0x0];
	s10 =	sor.u32 s13, s10;
	s13 =	sld [smem:$0x7ED]  }
0x1c1: {  	s15 =	sadd.s32 $0xFFFFFFA0, s26;
	s21 =	sadd.s32 $0x1A0, s25;
	v32 =	vld [tilespmem:s24+$0x1980]  }
0x1c2: {  	s22 =	sadd.s32 $0xFFFFFFB0, s26;
	s23 =	sadd.s32 $0x1C0, s25;
	s31 =	sadd.s32 $0x1E0, s25;
	v11 =	vld [tilespmem:s10+$0x0]  }
0x1c3: {  	s21 =	sand.u32 $0x3F00, s21;
	s11 =	sand.u32 $0x50, s15;
	v28 =	vld [tilespmem:s10+$0x1980];
	s8 =	sor.u32 s13, s8  }
0x1c4: {  	s22 =	sand.u32 $0x60, s22;
	s12 =	sand.u32 $0x3F00, s23;
	s13 =	sor.u32 s11, s21;
	v16 =	vld [tilespmem:s8+$0x0]  }
0x1c5: {  	s30 =	sadd.s32 $0xFFFFFFE0, s26;
	s31 =	sand.u32 $0x3F00, s31;
	s21 =	sor.u32 s22, s12;
	v13 =	vld [tilespmem:s13+$0x0]  }
0x1c6: {  	s6 =	sadd.s32 $0xFFFFFFF0, s26;
	s30 =	sand.u32 $0x50, s30;
	s11 =	sor.u32 s29, s31;
	v12 =	vld [tilespmem:s21+$0x0]  }
0x1c7: {  	s15 =	sand.u32 $0x60, s6;
	s6 =	sadd.s32 $0x10, s5;
	s12 =	sor.u32 s30, s9;
	v19 =	vld [tilespmem:s11+$0x0]  }
0x1c8: {  	s22 =	sor.u32 $0x80, s6;
	s6 =	sor.u32 s15, s7;
	v18 =	vld [tilespmem:s12+$0x0]  }
0x1c9: {  	s23 =	sadd.s32 $0x30, s5;
	v15 =	vld [tilespmem:s6+$0x0]  }
0x1ca: {  	s29 =	sor.u32 $0x80, s23;
	v22 =	vld [tilespmem:s22+$0x1900]  }
0x1cb: {  	s30 =	sor.u32 $0x80, s1;
	v21 =	vld [tilespmem:s29+$0x1900]  }
.Ltmp7:
0x1cc: {  	s31 =	sor.u32 $0x80, s5;
	v24 =	vld [tilespmem:s30+$0x1900];
	(pc) =	sbr.rel @p3 .LBB2_11-.Ltmp7, $4  }
0x1cd: {  	v34 =	vld [tilespmem:s31+$0x1900]  }
0x1ce: {  	v26 =	vld [tilespmem:s8+$0x1980]  }
0x1cf: {  	v25 =	vld [tilespmem:s13+$0x1980]  }
0x1d0: {  	p1 =	por !p1, !p1;
	p2 =	por !p2, !p2;
	s0 =	rddreg [dreg:$0x6];
	v29 =	vld [tilespmem:s21+$0x1980]  }
0x1d1: {  	v35 =	vld [tilespmem:s11+$0x1980]  }
0x1d2: {  	v36 =	vld [tilespmem:s2+$0x1B80]  }
0x1d3: {  	v37 =	vld [tilespmem:s12+$0x1980]  }
0x1d4: {  	v38 =	vld [tilespmem:s6+$0x1980]  }
0x1d5: {  	[tilespmem:v2+s20+$0x0] =	vst.idx.add.f32.msk $0xffff, v22  }
0x1d6: {  	[tilespmem:v5+s20+$0x0] =	vst.idx.add.f32.msk $0xffff, v23  }
0x1d7: {  	[tilespmem:v4+s20+$0x0] =	vst.idx.add.f32.msk $0xffff, v21  }
0x1d8: {  	[tilespmem:v6+s20+$0x0] =	vst.idx.add.f32.msk $0xffff, v24  }
0x1d9: {  	[tilespmem:v7+s20+$0x0] =	vst.idx.add.f32.msk $0xffff, v30  }
0x1da: {  	[tilespmem:v8+s20+$0x0] =	vst.idx.add.f32.msk $0xffff, v31  }
0x1db: {  	[tilespmem:v9+s20+$0x0] =	vst.idx.add.f32.msk $0xffff, v32  }
0x1dc: {  	[tilespmem:v10+s20+$0x0] =	vst.idx.add.f32.msk $0xffff, v33  }
0x1dd: {  	[tilespmem:v11+s20+$0x0] =	vst.idx.add.f32.msk $0xffff, v28  }
0x1de: {  	[tilespmem:v17+s20+$0x0] =	vst.idx.add.f32.msk $0xffff, v27  }
0x1df: {  	[tilespmem:v1+s20+$0x0] =	vst.idx.add.f32.msk $0xffff, v14  }
0x1e0: {  	[tilespmem:v3+s20+$0x0] =	vst.idx.add.f32.msk $0xffff, v34  }
0x1e1: {  	[tilespmem:v16+s20+$0x0] =	vst.idx.add.f32.msk $0xffff, v26  }
0x1e2: {  	[tilespmem:v13+s20+$0x0] =	vst.idx.add.f32.msk $0xffff, v25  }
0x1e3: {  	[tilespmem:v12+s20+$0x0] =	vst.idx.add.f32.msk $0xffff, v29  }
.Ltmp8:
0x1e4: {  	[tilespmem:v19+s20+$0x0] =	vst.idx.add.f32.msk $0xffff, v35;
	(pc) =	sbr.rel .LBB2_13-.Ltmp8, $4  }
0x1e5: {  	[tilespmem:v20+s20+$0x0] =	vst.idx.add.f32.msk $0xffff, v36  }
0x1e6: {  	[tilespmem:v18+s20+$0x0] =	vst.idx.add.f32.msk $0xffff, v37  }
0x1e7: {  	[tilespmem:v15+s20+$0x0] =	vst.idx.add.f32.msk $0xffff, v38  }
0x1e8: {  	s9 =	simm.s32 $0x0;
	s10 =	simm.s32 $0x6400;
	s2 =	sld [smem:$0x7F3]  }
.LBB2_14:
0x1e9: {  	_ =	sfence.sel $0x180000  }
0x1ea: {  	[bflag:$0x0] =	sbarrier.arrive $0xFFFF  }
0x1eb: {  	_ =	strace $0x90000047  }
0x1ec: {  	s0 =	stileid.u32;
	[bflag:$0x2] =	sbarrier.arrive $0xFFFF  }
0x1ed: {  	p0 =	sne.s32 s0, $0x0;
	s0 =	rddreg [dreg:$0x3]  }
0x1ee: {  	s0 =	sadd.s32 @!p0 $0x100000, s0  }
0x1ef: {  	[sflag:s0] =	ssyncadd.tile.s32 @!p0 $0x1;
	_ =	shalt  }
.Lfunc_end2:
_tile_overlayer_lowered:
.L_overlay_start_2:
0x1f0: {  	(tag) =	ssettag $0x2  }
0x1f1: {  	s0 =	rddreg [dreg:$0x0];
	s2 =	stileid.u32  }
0x1f2: {  	s1 =	rddreg [dreg:$0x1];
	p0 =	sne.s32 s2, $0x0  }
0x1f3: {  	s3 =	rddreg [dreg:$0x2];
	[bflag:$0x3] =	sbarrier.arrive $0xFFFF;
	s2 =	simm.s32 @!p0 $0x1C05  }
0x1f4: {  	[timem:s3], [sflag:s2] =	dma.local @!p0 [hbm:s0], s1  }
0x1f5: {  	s0 =	simm.s32 @!p0 $0x5  }
0x1f6: {  	_ =	swait.ge @!p0 [sflag:s0], s1  }
0x1f7: {  	s1 =	ssub.s32 @!p0 $0x0, s1;
	[sflag:s0] =	ssyncset.done @!p0 $0x0  }
0x1f8: {  	[sflag:s0] =	ssyncadd.s32 @!p0 s1  }
0x1f9: {  	[bflag:$0x3] =	sbarrier.arrive $0xFFFF  }
0x1fa: {  	_ =	shalt  }

</sc_bundles>
